<compile_context>
chip_gen: v7x
topology: tpu7x:2x2x1
jax: 0.10.2.dev20260603
libtpu: 0.0.44.dev20260713+nightly
codegen_flags: <defaults>
</compile_context>

<pallas_src>
import functools
import math

import jax
import jax.numpy as jnp
from jax import lax
from jax.experimental import pallas as pl
from jax.experimental.pallas import tpu as pltpu
from jax.experimental.pallas import tpu_sc as plsc

D_MODEL = 128
SCALE = math.sqrt(float(D_MODEL))
LANES = 16
CHUNK = 128


def _sc_embed(table, x):
    b, s = x.shape
    info = plsc.get_sparse_core_info()
    num_workers = info.num_cores * info.num_subcores
    b_per_w = (b * s) // num_workers
    chunks_per_w = b_per_w // CHUNK
    w_per_row = s // b_per_w
    mesh = plsc.VectorSubcoreMesh(core_axis_name="c", subcore_axis_name="s")

    @functools.partial(
        pl.kernel,
        mesh=mesh,
        out_type=jax.ShapeDtypeStruct((b, s, D_MODEL), jnp.float32),
        scratch_types=[
            pltpu.VMEM((b_per_w,), jnp.int32),
            pltpu.VMEM((chunks_per_w, CHUNK, D_MODEL), jnp.float32),
            pltpu.SemaphoreType.DMA,
            pltpu.SemaphoreType.DMA,
        ],
    )
    def k(table_hbm, idx_hbm, out_hbm, idx_v, rows_v, gsem, osem):
        wid = lax.axis_index("c") * info.num_subcores + lax.axis_index("s")
        row = wid // w_per_row
        col0 = (wid % w_per_row) * b_per_w
        pltpu.sync_copy(idx_hbm.at[row, pl.ds(col0, b_per_w)], idx_v)
        gathers = [
            pltpu.async_copy(
                table_hbm.at[idx_v.at[pl.ds(c * CHUNK, CHUNK)]],
                rows_v.at[c],
                gsem,
            )
            for c in range(chunks_per_w)
        ]
        stores = []
        for c in range(chunks_per_w):
            gathers[c].wait()

            def _scale_row(i, _):
                for j in range(D_MODEL // LANES):
                    sl = pl.ds(j * LANES, LANES)
                    rows_v[c, i, sl] = rows_v[c, i, sl] * SCALE
                return 0

            lax.fori_loop(0, CHUNK, _scale_row, 0)

            stores.append(
                pltpu.async_copy(
                    rows_v.at[c],
                    out_hbm.at[row, pl.ds(col0 + c * CHUNK, CHUNK)],
                    osem,
                )
            )
        for st in stores:
            st.wait()

    return k(table, x)


def kernel(x, table):
    return _sc_embed(table, x.astype(jnp.int32))

# --- scband reference (transcript-rebuilt; emitter-appended) ---
"""Pipeline reference for scband-input-embedding-10445360464285 (READ-ONLY COPY).

The authoritative reference and input builder live on the scoring server;
editing this copy changes nothing except your own understanding.
"""

import jax, jax.numpy as jnp
import numpy as np
import math

D_MODEL = 128
VOCAB_SIZE = 100000

def setup_inputs(seed: int = 0) -> dict:
    key = jax.random.key(seed)
    k1, k2 = jax.random.split(key)
    x = jax.random.randint(k1, (4, 4096), 0, VOCAB_SIZE, dtype=jnp.int64 if jax.config.jax_enable_x64 else jnp.int32)
    # nn.Embedding default init: N(0, 1)
    table = jax.random.normal(k2, (VOCAB_SIZE, D_MODEL), dtype=jnp.float32)
    return {"x": x, "table": table}

def reference(x, table):
    # Faithful translation of InputEmbedding.forward:
    #   self.embedding(x) * math.sqrt(self.d_model)
    emb = jnp.take(table, x, axis=0)
    return emb * math.sqrt(D_MODEL)

if __name__ == "__main__":
    import jax
    _d = setup_inputs()
    print(jax.jit(kernel)(*tuple(_d.values())))

</pallas_src>

<mosaic_0001>
#map = affine_map<(d0, d1) -> (0, 0)>
#map1 = affine_map<(d0, d1) -> (0, 0, 0)>
module attributes {stable_mosaic.version = 14 : i64} {
  func.func @k(%arg0: i32, %arg1: i32, %arg2: memref<100000x128xf32, #tpu.memory_space<hbm>>, %arg3: memref<4x4096xi32, #tpu.memory_space<hbm>>, %arg4: memref<4x4096x128xf32, #tpu.memory_space<hbm>>, %arg5: memref<512xi32, #tpu.memory_space<vmem>>, %arg6: memref<4x128x128xf32, #tpu.memory_space<vmem>>, %arg7: memref<!tpu.dma_semaphore, #tpu.memory_space<semaphore_mem>>, %arg8: memref<!tpu.dma_semaphore, #tpu.memory_space<semaphore_mem>>) attributes {dimension_semantics = [#tpu.dimension_semantics<core_parallel>, #tpu.dimension_semantics<subcore_parallel>], iteration_bounds = array<i64: 2, 16>, scalar_prefetch = 0 : i64, scratch_operands = 4 : i64, tpu.core_type = #tpu.core_type<sc_vector_subcore>, window_params = [{transform_indices = #map}, {transform_indices = #map}, {transform_indices = #map1}]} {
    %mul3A = arith.constant 16 : i32
    %mul3A_0 = arith.muli %arg0, %mul3A : i32
    %add3A = arith.addi %mul3A_0, %arg1 : i32
    %jit3A = arith.constant 8 : i32
    %div3A = arith.divsi %add3A, %jit3A : i32
    %sign3A = arith.constant 0 : i32
    %sign3A_1 = arith.cmpi sgt, %add3A, %sign3A : i32
    %sign3A_2 = arith.extui %sign3A_1 : i1 to i32
    %sign3A_3 = arith.constant 0 : i32
    %sign3A_4 = arith.cmpi slt, %add3A, %sign3A_3 : i32
    %sign3A_5 = arith.extui %sign3A_4 : i1 to i32
    %sign3A_6 = arith.subi %sign3A_2, %sign3A_5 : i32
    %sign3A_7 = arith.constant 0 : i32
    %sign3A_8 = arith.cmpi sgt, %jit3A, %sign3A_7 : i32
    %sign3A_9 = arith.extui %sign3A_8 : i1 to i32
    %sign3A_10 = arith.constant 0 : i32
    %sign3A_11 = arith.cmpi slt, %jit3A, %sign3A_10 : i32
    %sign3A_12 = arith.extui %sign3A_11 : i1 to i32
    %sign3A_13 = arith.subi %sign3A_9, %sign3A_12 : i32
    %ne3A = arith.cmpi ne, %sign3A_6, %sign3A_13 : i32
    %rem3A = arith.remsi %add3A, %jit3A : i32
    %ne3A_14 = arith.constant 0 : i32
    %ne3A_15 = arith.cmpi ne, %rem3A, %ne3A_14 : i32
    %and3A = arith.andi %ne3A, %ne3A_15 : i1
    %sub3A = arith.constant 1 : i32
    %sub3A_16 = arith.subi %div3A, %sub3A : i32
    %select_n3A = arith.select %and3A, %sub3A_16, %div3A : i32
    %jit3A_17 = arith.constant 8 : i32
    %eq3A = arith.constant 0 : i32
    %eq3A_18 = arith.cmpi eq, %jit3A_17, %eq3A : i32
    %jit3A_19 = arith.constant 1 : i32
    %select_n3A_20 = arith.select %eq3A_18, %jit3A_19, %jit3A_17 : i32
    %rem3A_21 = arith.remsi %add3A, %select_n3A_20 : i32
    %ne3A_22 = arith.constant 0 : i32
    %ne3A_23 = arith.cmpi ne, %rem3A_21, %ne3A_22 : i32
    %lt3A = arith.constant 0 : i32
    %lt3A_24 = arith.cmpi slt, %rem3A_21, %lt3A : i32
    %lt3A_25 = arith.constant 0 : i32
    %lt3A_26 = arith.cmpi slt, %select_n3A_20, %lt3A_25 : i32
    %ne3A_27 = arith.xori %lt3A_24, %lt3A_26 : i1
    %and3A_28 = arith.andi %ne3A_27, %ne3A_23 : i1
    %add3A_29 = arith.addi %rem3A_21, %select_n3A_20 : i32
    %select_n3A_30 = arith.select %and3A_28, %add3A_29, %rem3A_21 : i32
    %mul3A_31 = arith.constant 512 : i32
    %mul3A_32 = arith.muli %select_n3A_30, %mul3A_31 : i32
    "tpu.region"() ({
      %run_scoped3A = tpu.sem_alloc : memref<!tpu.dma_semaphore, #tpu.memory_space<semaphore_mem>>
      %dma_start3A_266 = tpu.memref_slice %arg3[%select_n3A, %mul3A_32] : memref<4x4096xi32, #tpu.memory_space<hbm>> -> memref<1x512xi32, #tpu.memory_space<hbm>>
      %dma_start3A_267 = tpu.memref_squeeze %dma_start3A_266 : memref<1x512xi32, #tpu.memory_space<hbm>> -> memref<512xi32, #tpu.memory_space<hbm>>
      %dma_start3A_268 = tpu.memref_slice %arg3[%select_n3A, %mul3A_32] : memref<4x4096xi32, #tpu.memory_space<hbm>> -> memref<1x512xi32, #tpu.memory_space<hbm>>
      %dma_start3A_269 = tpu.memref_squeeze %dma_start3A_268 : memref<1x512xi32, #tpu.memory_space<hbm>> -> memref<512xi32, #tpu.memory_space<hbm>>
      tpu.enqueue_dma source(%dma_start3A_269 : memref<512xi32, #tpu.memory_space<hbm>>) target(%arg5 : memref<512xi32, #tpu.memory_space<vmem>>) target_semaphore(%run_scoped3A : memref<!tpu.dma_semaphore, #tpu.memory_space<semaphore_mem>>)
      %dma_wait3A_270 = tpu.memref_slice %arg3[%select_n3A, %mul3A_32] : memref<4x4096xi32, #tpu.memory_space<hbm>> -> memref<1x512xi32, #tpu.memory_space<hbm>>
      %dma_wait3A_271 = tpu.memref_squeeze %dma_wait3A_270 : memref<1x512xi32, #tpu.memory_space<hbm>> -> memref<512xi32, #tpu.memory_space<hbm>>
      %dma_wait3A_272 = tpu.memref_slice %arg3[%select_n3A, %mul3A_32] : memref<4x4096xi32, #tpu.memory_space<hbm>> -> memref<1x512xi32, #tpu.memory_space<hbm>>
      %dma_wait3A_273 = tpu.memref_squeeze %dma_wait3A_272 : memref<1x512xi32, #tpu.memory_space<hbm>> -> memref<512xi32, #tpu.memory_space<hbm>>
      tpu.wait_dma2 semaphore(%run_scoped3A : memref<!tpu.dma_semaphore, #tpu.memory_space<semaphore_mem>>) src(%dma_wait3A_273 : memref<512xi32, #tpu.memory_space<hbm>>) dst(%arg5 : memref<512xi32, #tpu.memory_space<vmem>>)
      tpu.yield
    }) : () -> ()
    %dma_start3A = arith.constant 0 : i32
    %dma_start3A_33 = arith.constant 0 : i32
    %dma_start3A_34 = arith.constant 0 : i32
    %dma_start3A_35 = tpu.memref_slice %arg6[%dma_start3A, %dma_start3A_33, %dma_start3A_34] : memref<4x128x128xf32, #tpu.memory_space<vmem>> -> memref<1x128x128xf32, #tpu.memory_space<vmem>>
    %dma_start3A_36 = tpu.memref_squeeze %dma_start3A_35 : memref<1x128x128xf32, #tpu.memory_space<vmem>> -> memref<128x128xf32, #tpu.memory_space<vmem>>
    %dma_start3A_37 = arith.constant 0 : i32
    %dma_start3A_38 = tpu.memref_slice %arg5[%dma_start3A_37] : memref<512xi32, #tpu.memory_space<vmem>> -> memref<128xi32, #tpu.memory_space<vmem>>
    %dma_start3A_39 = arith.constant 0 : i32
    %dma_start3A_40 = arith.constant 0 : i32
    %dma_start3A_41 = tpu.memref_slice %arg2[%dma_start3A_39, %dma_start3A_40] : memref<100000x128xf32, #tpu.memory_space<hbm>> -> memref<100000x128xf32, #tpu.memory_space<hbm>>
    tpu.enqueue_indirect_dma source(%dma_start3A_41 : memref<100000x128xf32, #tpu.memory_space<hbm>>) target(%dma_start3A_36 : memref<128x128xf32, #tpu.memory_space<vmem>>) offsets(%dma_start3A_38 : memref<128xi32, #tpu.memory_space<vmem>>) semaphore(%arg7 : memref<!tpu.dma_semaphore, #tpu.memory_space<semaphore_mem>>)
    %dma_start3A_42 = arith.constant 1 : i32
    %dma_start3A_43 = arith.constant 0 : i32
    %dma_start3A_44 = arith.constant 0 : i32
    %dma_start3A_45 = tpu.memref_slice %arg6[%dma_start3A_42, %dma_start3A_43, %dma_start3A_44] : memref<4x128x128xf32, #tpu.memory_space<vmem>> -> memref<1x128x128xf32, #tpu.memory_space<vmem>>
    %dma_start3A_46 = tpu.memref_squeeze %dma_start3A_45 : memref<1x128x128xf32, #tpu.memory_space<vmem>> -> memref<128x128xf32, #tpu.memory_space<vmem>>
    %dma_start3A_47 = arith.constant 128 : i32
    %dma_start3A_48 = tpu.memref_slice %arg5[%dma_start3A_47] : memref<512xi32, #tpu.memory_space<vmem>> -> memref<128xi32, #tpu.memory_space<vmem>>
    %dma_start3A_49 = arith.constant 0 : i32
    %dma_start3A_50 = arith.constant 0 : i32
    %dma_start3A_51 = tpu.memref_slice %arg2[%dma_start3A_49, %dma_start3A_50] : memref<100000x128xf32, #tpu.memory_space<hbm>> -> memref<100000x128xf32, #tpu.memory_space<hbm>>
    tpu.enqueue_indirect_dma source(%dma_start3A_51 : memref<100000x128xf32, #tpu.memory_space<hbm>>) target(%dma_start3A_46 : memref<128x128xf32, #tpu.memory_space<vmem>>) offsets(%dma_start3A_48 : memref<128xi32, #tpu.memory_space<vmem>>) semaphore(%arg7 : memref<!tpu.dma_semaphore, #tpu.memory_space<semaphore_mem>>)
    %dma_start3A_52 = arith.constant 2 : i32
    %dma_start3A_53 = arith.constant 0 : i32
    %dma_start3A_54 = arith.constant 0 : i32
    %dma_start3A_55 = tpu.memref_slice %arg6[%dma_start3A_52, %dma_start3A_53, %dma_start3A_54] : memref<4x128x128xf32, #tpu.memory_space<vmem>> -> memref<1x128x128xf32, #tpu.memory_space<vmem>>
    %dma_start3A_56 = tpu.memref_squeeze %dma_start3A_55 : memref<1x128x128xf32, #tpu.memory_space<vmem>> -> memref<128x128xf32, #tpu.memory_space<vmem>>
    %dma_start3A_57 = arith.constant 256 : i32
    %dma_start3A_58 = tpu.memref_slice %arg5[%dma_start3A_57] : memref<512xi32, #tpu.memory_space<vmem>> -> memref<128xi32, #tpu.memory_space<vmem>>
    %dma_start3A_59 = arith.constant 0 : i32
    %dma_start3A_60 = arith.constant 0 : i32
    %dma_start3A_61 = tpu.memref_slice %arg2[%dma_start3A_59, %dma_start3A_60] : memref<100000x128xf32, #tpu.memory_space<hbm>> -> memref<100000x128xf32, #tpu.memory_space<hbm>>
    tpu.enqueue_indirect_dma source(%dma_start3A_61 : memref<100000x128xf32, #tpu.memory_space<hbm>>) target(%dma_start3A_56 : memref<128x128xf32, #tpu.memory_space<vmem>>) offsets(%dma_start3A_58 : memref<128xi32, #tpu.memory_space<vmem>>) semaphore(%arg7 : memref<!tpu.dma_semaphore, #tpu.memory_space<semaphore_mem>>)
    %dma_start3A_62 = arith.constant 3 : i32
    %dma_start3A_63 = arith.constant 0 : i32
    %dma_start3A_64 = arith.constant 0 : i32
    %dma_start3A_65 = tpu.memref_slice %arg6[%dma_start3A_62, %dma_start3A_63, %dma_start3A_64] : memref<4x128x128xf32, #tpu.memory_space<vmem>> -> memref<1x128x128xf32, #tpu.memory_space<vmem>>
    %dma_start3A_66 = tpu.memref_squeeze %dma_start3A_65 : memref<1x128x128xf32, #tpu.memory_space<vmem>> -> memref<128x128xf32, #tpu.memory_space<vmem>>
    %dma_start3A_67 = arith.constant 384 : i32
    %dma_start3A_68 = tpu.memref_slice %arg5[%dma_start3A_67] : memref<512xi32, #tpu.memory_space<vmem>> -> memref<128xi32, #tpu.memory_space<vmem>>
    %dma_start3A_69 = arith.constant 0 : i32
    %dma_start3A_70 = arith.constant 0 : i32
    %dma_start3A_71 = tpu.memref_slice %arg2[%dma_start3A_69, %dma_start3A_70] : memref<100000x128xf32, #tpu.memory_space<hbm>> -> memref<100000x128xf32, #tpu.memory_space<hbm>>
    tpu.enqueue_indirect_dma source(%dma_start3A_71 : memref<100000x128xf32, #tpu.memory_space<hbm>>) target(%dma_start3A_66 : memref<128x128xf32, #tpu.memory_space<vmem>>) offsets(%dma_start3A_68 : memref<128xi32, #tpu.memory_space<vmem>>) semaphore(%arg7 : memref<!tpu.dma_semaphore, #tpu.memory_space<semaphore_mem>>)
    %dma_wait3A = arith.constant 0 : i32
    %dma_wait3A_72 = arith.constant 0 : i32
    %dma_wait3A_73 = arith.constant 0 : i32
    %dma_wait3A_74 = tpu.memref_slice %arg6[%dma_wait3A, %dma_wait3A_72, %dma_wait3A_73] : memref<4x128x128xf32, #tpu.memory_space<vmem>> -> memref<1x128x128xf32, #tpu.memory_space<vmem>>
    %dma_wait3A_75 = tpu.memref_squeeze %dma_wait3A_74 : memref<1x128x128xf32, #tpu.memory_space<vmem>> -> memref<128x128xf32, #tpu.memory_space<vmem>>
    %dma_wait3A_76 = arith.constant 0 : i32
    %dma_wait3A_77 = tpu.memref_slice %arg5[%dma_wait3A_76] : memref<512xi32, #tpu.memory_space<vmem>> -> memref<128xi32, #tpu.memory_space<vmem>>
    %dma_wait3A_78 = arith.constant 0 : i32
    %dma_wait3A_79 = arith.constant 0 : i32
    %dma_wait3A_80 = tpu.memref_slice %arg2[%dma_wait3A_78, %dma_wait3A_79] : memref<100000x128xf32, #tpu.memory_space<hbm>> -> memref<100000x128xf32, #tpu.memory_space<hbm>>
    tpu.wait_indirect_dma semaphore(%arg7 : memref<!tpu.dma_semaphore, #tpu.memory_space<semaphore_mem>>) src(%dma_wait3A_80 : memref<100000x128xf32, #tpu.memory_space<hbm>>) dst(%dma_wait3A_75 : memref<128x128xf32, #tpu.memory_space<vmem>>)
    %scan3A = arith.constant 0 : i32
    %scan3A_81 = arith.constant 0 : i32
    %scan3A_82 = arith.constant 128 : i32
    %scan3A_83 = arith.addi %scan3A_81, %scan3A_82 : i32
    %scan3A_84 = arith.constant 1 : i32
    %scan3A_85 = scf.for %scan3A_266 = %scan3A_81 to %scan3A_83 step %scan3A_84 iter_args(%scan3A_267 = %scan3A) -> (i32)  : i32 {
      %get3A = arith.constant 0 : i32
      %get3A_268 = arith.index_cast %get3A : i32 to index
      %get3A_269 = arith.index_cast %scan3A_266 : i32 to index
      %get3A_270 = arith.constant 0 : index
      %get3A_271 = tpu.vector_load %arg6[%get3A_268, %get3A_269, %get3A_270] {strides = array<i32>} : memref<4x128x128xf32, #tpu.memory_space<vmem>>, vector<1x1x16xf32>,
      %get3A_272 = vector.shape_cast %get3A_271 : vector<1x1x16xf32> to vector<16xf32>
      %mul3A_273 = arith.constant 11.3137083 : f32
      %mul3A_274 = vector.broadcast %mul3A_273 : f32 to vector<16xf32>
      %mul3A_275 = arith.mulf %get3A_272, %mul3A_274 : vector<16xf32>
      %swap3A = arith.constant 0 : i32
      %swap3A_276 = arith.index_cast %swap3A : i32 to index
      %swap3A_277 = arith.index_cast %scan3A_266 : i32 to index
      %swap3A_278 = arith.constant 0 : index
      %swap3A_279 = tpu.vector_load %arg6[%swap3A_276, %swap3A_277, %swap3A_278] {strides = array<i32>} : memref<4x128x128xf32, #tpu.memory_space<vmem>>, vector<1x1x16xf32>,
      %swap3A_280 = vector.shape_cast %swap3A_279 : vector<1x1x16xf32> to vector<16xf32>
      %swap3A_281 = vector.shape_cast %mul3A_275 : vector<16xf32> to vector<1x1x16xf32>
      tpu.vector_store %arg6[%swap3A_276, %swap3A_277, %swap3A_278], %swap3A_281 {strides = array<i32>} : memref<4x128x128xf32, #tpu.memory_space<vmem>>, vector<1x1x16xf32>,
      %get3A_282 = arith.constant 0 : i32
      %get3A_283 = arith.index_cast %get3A_282 : i32 to index
      %get3A_284 = arith.index_cast %scan3A_266 : i32 to index
      %get3A_285 = arith.constant 16 : index
      %get3A_286 = tpu.vector_load %arg6[%get3A_283, %get3A_284, %get3A_285] {strides = array<i32>} : memref<4x128x128xf32, #tpu.memory_space<vmem>>, vector<1x1x16xf32>,
      %get3A_287 = vector.shape_cast %get3A_286 : vector<1x1x16xf32> to vector<16xf32>
      %mul3A_288 = arith.constant 11.3137083 : f32
      %mul3A_289 = vector.broadcast %mul3A_288 : f32 to vector<16xf32>
      %mul3A_290 = arith.mulf %get3A_287, %mul3A_289 : vector<16xf32>
      %swap3A_291 = arith.constant 0 : i32
      %swap3A_292 = arith.index_cast %swap3A_291 : i32 to index
      %swap3A_293 = arith.index_cast %scan3A_266 : i32 to index
      %swap3A_294 = arith.constant 16 : index
      %swap3A_295 = tpu.vector_load %arg6[%swap3A_292, %swap3A_293, %swap3A_294] {strides = array<i32>} : memref<4x128x128xf32, #tpu.memory_space<vmem>>, vector<1x1x16xf32>,
      %swap3A_296 = vector.shape_cast %swap3A_295 : vector<1x1x16xf32> to vector<16xf32>
      %swap3A_297 = vector.shape_cast %mul3A_290 : vector<16xf32> to vector<1x1x16xf32>
      tpu.vector_store %arg6[%swap3A_292, %swap3A_293, %swap3A_294], %swap3A_297 {strides = array<i32>} : memref<4x128x128xf32, #tpu.memory_space<vmem>>, vector<1x1x16xf32>,
      %get3A_298 = arith.constant 0 : i32
      %get3A_299 = arith.index_cast %get3A_298 : i32 to index
      %get3A_300 = arith.index_cast %scan3A_266 : i32 to index
      %get3A_301 = arith.constant 32 : index
      %get3A_302 = tpu.vector_load %arg6[%get3A_299, %get3A_300, %get3A_301] {strides = array<i32>} : memref<4x128x128xf32, #tpu.memory_space<vmem>>, vector<1x1x16xf32>,
      %get3A_303 = vector.shape_cast %get3A_302 : vector<1x1x16xf32> to vector<16xf32>
      %mul3A_304 = arith.constant 11.3137083 : f32
      %mul3A_305 = vector.broadcast %mul3A_304 : f32 to vector<16xf32>
      %mul3A_306 = arith.mulf %get3A_303, %mul3A_305 : vector<16xf32>
      %swap3A_307 = arith.constant 0 : i32
      %swap3A_308 = arith.index_cast %swap3A_307 : i32 to index
      %swap3A_309 = arith.index_cast %scan3A_266 : i32 to index
      %swap3A_310 = arith.constant 32 : index
      %swap3A_311 = tpu.vector_load %arg6[%swap3A_308, %swap3A_309, %swap3A_310] {strides = array<i32>} : memref<4x128x128xf32, #tpu.memory_space<vmem>>, vector<1x1x16xf32>,
      %swap3A_312 = vector.shape_cast %swap3A_311 : vector<1x1x16xf32> to vector<16xf32>
      %swap3A_313 = vector.shape_cast %mul3A_306 : vector<16xf32> to vector<1x1x16xf32>
      tpu.vector_store %arg6[%swap3A_308, %swap3A_309, %swap3A_310], %swap3A_313 {strides = array<i32>} : memref<4x128x128xf32, #tpu.memory_space<vmem>>, vector<1x1x16xf32>,
      %get3A_314 = arith.constant 0 : i32
      %get3A_315 = arith.index_cast %get3A_314 : i32 to index
      %get3A_316 = arith.index_cast %scan3A_266 : i32 to index
      %get3A_317 = arith.constant 48 : index
      %get3A_318 = tpu.vector_load %arg6[%get3A_315, %get3A_316, %get3A_317] {strides = array<i32>} : memref<4x128x128xf32, #tpu.memory_space<vmem>>, vector<1x1x16xf32>,
      %get3A_319 = vector.shape_cast %get3A_318 : vector<1x1x16xf32> to vector<16xf32>
      %mul3A_320 = arith.constant 11.3137083 : f32
      %mul3A_321 = vector.broadcast %mul3A_320 : f32 to vector<16xf32>
      %mul3A_322 = arith.mulf %get3A_319, %mul3A_321 : vector<16xf32>
      %swap3A_323 = arith.constant 0 : i32
      %swap3A_324 = arith.index_cast %swap3A_323 : i32 to index
      %swap3A_325 = arith.index_cast %scan3A_266 : i32 to index
      %swap3A_326 = arith.constant 48 : index
      %swap3A_327 = tpu.vector_load %arg6[%swap3A_324, %swap3A_325, %swap3A_326] {strides = array<i32>} : memref<4x128x128xf32, #tpu.memory_space<vmem>>, vector<1x1x16xf32>,
      %swap3A_328 = vector.shape_cast %swap3A_327 : vector<1x1x16xf32> to vector<16xf32>
      %swap3A_329 = vector.shape_cast %mul3A_322 : vector<16xf32> to vector<1x1x16xf32>
      tpu.vector_store %arg6[%swap3A_324, %swap3A_325, %swap3A_326], %swap3A_329 {strides = array<i32>} : memref<4x128x128xf32, #tpu.memory_space<vmem>>, vector<1x1x16xf32>,
      %get3A_330 = arith.constant 0 : i32
      %get3A_331 = arith.index_cast %get3A_330 : i32 to index
      %get3A_332 = arith.index_cast %scan3A_266 : i32 to index
      %get3A_333 = arith.constant 64 : index
      %get3A_334 = tpu.vector_load %arg6[%get3A_331, %get3A_332, %get3A_333] {strides = array<i32>} : memref<4x128x128xf32, #tpu.memory_space<vmem>>, vector<1x1x16xf32>,
      %get3A_335 = vector.shape_cast %get3A_334 : vector<1x1x16xf32> to vector<16xf32>
      %mul3A_336 = arith.constant 11.3137083 : f32
      %mul3A_337 = vector.broadcast %mul3A_336 : f32 to vector<16xf32>
      %mul3A_338 = arith.mulf %get3A_335, %mul3A_337 : vector<16xf32>
      %swap3A_339 = arith.constant 0 : i32
      %swap3A_340 = arith.index_cast %swap3A_339 : i32 to index
      %swap3A_341 = arith.index_cast %scan3A_266 : i32 to index
      %swap3A_342 = arith.constant 64 : index
      %swap3A_343 = tpu.vector_load %arg6[%swap3A_340, %swap3A_341, %swap3A_342] {strides = array<i32>} : memref<4x128x128xf32, #tpu.memory_space<vmem>>, vector<1x1x16xf32>,
      %swap3A_344 = vector.shape_cast %swap3A_343 : vector<1x1x16xf32> to vector<16xf32>
      %swap3A_345 = vector.shape_cast %mul3A_338 : vector<16xf32> to vector<1x1x16xf32>
      tpu.vector_store %arg6[%swap3A_340, %swap3A_341, %swap3A_342], %swap3A_345 {strides = array<i32>} : memref<4x128x128xf32, #tpu.memory_space<vmem>>, vector<1x1x16xf32>,
      %get3A_346 = arith.constant 0 : i32
      %get3A_347 = arith.index_cast %get3A_346 : i32 to index
      %get3A_348 = arith.index_cast %scan3A_266 : i32 to index
      %get3A_349 = arith.constant 80 : index
      %get3A_350 = tpu.vector_load %arg6[%get3A_347, %get3A_348, %get3A_349] {strides = array<i32>} : memref<4x128x128xf32, #tpu.memory_space<vmem>>, vector<1x1x16xf32>,
      %get3A_351 = vector.shape_cast %get3A_350 : vector<1x1x16xf32> to vector<16xf32>
      %mul3A_352 = arith.constant 11.3137083 : f32
      %mul3A_353 = vector.broadcast %mul3A_352 : f32 to vector<16xf32>
      %mul3A_354 = arith.mulf %get3A_351, %mul3A_353 : vector<16xf32>
      %swap3A_355 = arith.constant 0 : i32
      %swap3A_356 = arith.index_cast %swap3A_355 : i32 to index
      %swap3A_357 = arith.index_cast %scan3A_266 : i32 to index
      %swap3A_358 = arith.constant 80 : index
      %swap3A_359 = tpu.vector_load %arg6[%swap3A_356, %swap3A_357, %swap3A_358] {strides = array<i32>} : memref<4x128x128xf32, #tpu.memory_space<vmem>>, vector<1x1x16xf32>,
      %swap3A_360 = vector.shape_cast %swap3A_359 : vector<1x1x16xf32> to vector<16xf32>
      %swap3A_361 = vector.shape_cast %mul3A_354 : vector<16xf32> to vector<1x1x16xf32>
      tpu.vector_store %arg6[%swap3A_356, %swap3A_357, %swap3A_358], %swap3A_361 {strides = array<i32>} : memref<4x128x128xf32, #tpu.memory_space<vmem>>, vector<1x1x16xf32>,
      %get3A_362 = arith.constant 0 : i32
      %get3A_363 = arith.index_cast %get3A_362 : i32 to index
      %get3A_364 = arith.index_cast %scan3A_266 : i32 to index
      %get3A_365 = arith.constant 96 : index
      %get3A_366 = tpu.vector_load %arg6[%get3A_363, %get3A_364, %get3A_365] {strides = array<i32>} : memref<4x128x128xf32, #tpu.memory_space<vmem>>, vector<1x1x16xf32>,
      %get3A_367 = vector.shape_cast %get3A_366 : vector<1x1x16xf32> to vector<16xf32>
      %mul3A_368 = arith.constant 11.3137083 : f32
      %mul3A_369 = vector.broadcast %mul3A_368 : f32 to vector<16xf32>
      %mul3A_370 = arith.mulf %get3A_367, %mul3A_369 : vector<16xf32>
      %swap3A_371 = arith.constant 0 : i32
      %swap3A_372 = arith.index_cast %swap3A_371 : i32 to index
      %swap3A_373 = arith.index_cast %scan3A_266 : i32 to index
      %swap3A_374 = arith.constant 96 : index
      %swap3A_375 = tpu.vector_load %arg6[%swap3A_372, %swap3A_373, %swap3A_374] {strides = array<i32>} : memref<4x128x128xf32, #tpu.memory_space<vmem>>, vector<1x1x16xf32>,
      %swap3A_376 = vector.shape_cast %swap3A_375 : vector<1x1x16xf32> to vector<16xf32>
      %swap3A_377 = vector.shape_cast %mul3A_370 : vector<16xf32> to vector<1x1x16xf32>
      tpu.vector_store %arg6[%swap3A_372, %swap3A_373, %swap3A_374], %swap3A_377 {strides = array<i32>} : memref<4x128x128xf32, #tpu.memory_space<vmem>>, vector<1x1x16xf32>,
      %get3A_378 = arith.constant 0 : i32
      %get3A_379 = arith.index_cast %get3A_378 : i32 to index
      %get3A_380 = arith.index_cast %scan3A_266 : i32 to index
      %get3A_381 = arith.constant 112 : index
      %get3A_382 = tpu.vector_load %arg6[%get3A_379, %get3A_380, %get3A_381] {strides = array<i32>} : memref<4x128x128xf32, #tpu.memory_space<vmem>>, vector<1x1x16xf32>,
      %get3A_383 = vector.shape_cast %get3A_382 : vector<1x1x16xf32> to vector<16xf32>
      %mul3A_384 = arith.constant 11.3137083 : f32
      %mul3A_385 = vector.broadcast %mul3A_384 : f32 to vector<16xf32>
      %mul3A_386 = arith.mulf %get3A_383, %mul3A_385 : vector<16xf32>
      %swap3A_387 = arith.constant 0 : i32
      %swap3A_388 = arith.index_cast %swap3A_387 : i32 to index
      %swap3A_389 = arith.index_cast %scan3A_266 : i32 to index
      %swap3A_390 = arith.constant 112 : index
      %swap3A_391 = tpu.vector_load %arg6[%swap3A_388, %swap3A_389, %swap3A_390] {strides = array<i32>} : memref<4x128x128xf32, #tpu.memory_space<vmem>>, vector<1x1x16xf32>,
      %swap3A_392 = vector.shape_cast %swap3A_391 : vector<1x1x16xf32> to vector<16xf32>
      %swap3A_393 = vector.shape_cast %mul3A_386 : vector<16xf32> to vector<1x1x16xf32>
      tpu.vector_store %arg6[%swap3A_388, %swap3A_389, %swap3A_390], %swap3A_393 {strides = array<i32>} : memref<4x128x128xf32, #tpu.memory_space<vmem>>, vector<1x1x16xf32>,
      %scan3A_394 = arith.constant 0 : i32
      scf.yield %scan3A_394 : i32
    }
    %scan3A_86 = arith.constant 128 : i32
    %add3A_87 = arith.constant 0 : i32
    %add3A_88 = arith.addi %mul3A_32, %add3A_87 : i32
    %dma_start3A_89 = arith.constant 0 : i32
    %dma_start3A_90 = arith.constant 0 : i32
    %dma_start3A_91 = arith.constant 0 : i32
    %dma_start3A_92 = tpu.memref_slice %arg6[%dma_start3A_89, %dma_start3A_90, %dma_start3A_91] : memref<4x128x128xf32, #tpu.memory_space<vmem>> -> memref<1x128x128xf32, #tpu.memory_space<vmem>>
    %dma_start3A_93 = tpu.memref_squeeze %dma_start3A_92 : memref<1x128x128xf32, #tpu.memory_space<vmem>> -> memref<128x128xf32, #tpu.memory_space<vmem>>
    %dma_start3A_94 = arith.constant 0 : i32
    %dma_start3A_95 = tpu.memref_slice %arg4[%select_n3A, %add3A_88, %dma_start3A_94] : memref<4x4096x128xf32, #tpu.memory_space<hbm>> -> memref<1x128x128xf32, #tpu.memory_space<hbm>>
    %dma_start3A_96 = tpu.memref_squeeze %dma_start3A_95 : memref<1x128x128xf32, #tpu.memory_space<hbm>> -> memref<128x128xf32, #tpu.memory_space<hbm>>
    %dma_start3A_97 = arith.constant 0 : i32
    %dma_start3A_98 = tpu.memref_slice %arg4[%select_n3A, %add3A_88, %dma_start3A_97] : memref<4x4096x128xf32, #tpu.memory_space<hbm>> -> memref<1x128x128xf32, #tpu.memory_space<hbm>>
    %dma_start3A_99 = tpu.memref_squeeze %dma_start3A_98 : memref<1x128x128xf32, #tpu.memory_space<hbm>> -> memref<128x128xf32, #tpu.memory_space<hbm>>
    %dma_start3A_100 = arith.constant 0 : i32
    %dma_start3A_101 = arith.constant 0 : i32
    %dma_start3A_102 = tpu.memref_slice %arg6[%dma_start3A_89, %dma_start3A_100, %dma_start3A_101] : memref<4x128x128xf32, #tpu.memory_space<vmem>> -> memref<1x128x128xf32, #tpu.memory_space<vmem>>
    %dma_start3A_103 = tpu.memref_squeeze %dma_start3A_102 : memref<1x128x128xf32, #tpu.memory_space<vmem>> -> memref<128x128xf32, #tpu.memory_space<vmem>>
    tpu.enqueue_dma source(%dma_start3A_103 : memref<128x128xf32, #tpu.memory_space<vmem>>) target(%dma_start3A_99 : memref<128x128xf32, #tpu.memory_space<hbm>>) target_semaphore(%arg8 : memref<!tpu.dma_semaphore, #tpu.memory_space<semaphore_mem>>)
    %dma_wait3A_104 = arith.constant 1 : i32
    %dma_wait3A_105 = arith.constant 0 : i32
    %dma_wait3A_106 = arith.constant 0 : i32
    %dma_wait3A_107 = tpu.memref_slice %arg6[%dma_wait3A_104, %dma_wait3A_105, %dma_wait3A_106] : memref<4x128x128xf32, #tpu.memory_space<vmem>> -> memref<1x128x128xf32, #tpu.memory_space<vmem>>
    %dma_wait3A_108 = tpu.memref_squeeze %dma_wait3A_107 : memref<1x128x128xf32, #tpu.memory_space<vmem>> -> memref<128x128xf32, #tpu.memory_space<vmem>>
    %dma_wait3A_109 = arith.constant 128 : i32
    %dma_wait3A_110 = tpu.memref_slice %arg5[%dma_wait3A_109] : memref<512xi32, #tpu.memory_space<vmem>> -> memref<128xi32, #tpu.memory_space<vmem>>
    %dma_wait3A_111 = arith.constant 0 : i32
    %dma_wait3A_112 = arith.constant 0 : i32
    %dma_wait3A_113 = tpu.memref_slice %arg2[%dma_wait3A_111, %dma_wait3A_112] : memref<100000x128xf32, #tpu.memory_space<hbm>> -> memref<100000x128xf32, #tpu.memory_space<hbm>>
    tpu.wait_indirect_dma semaphore(%arg7 : memref<!tpu.dma_semaphore, #tpu.memory_space<semaphore_mem>>) src(%dma_wait3A_113 : memref<100000x128xf32, #tpu.memory_space<hbm>>) dst(%dma_wait3A_108 : memref<128x128xf32, #tpu.memory_space<vmem>>)
    %scan3A_114 = arith.constant 0 : i32
    %scan3A_115 = arith.constant 0 : i32
    %scan3A_116 = arith.constant 128 : i32
    %scan3A_117 = arith.addi %scan3A_115, %scan3A_116 : i32
    %scan3A_118 = arith.constant 1 : i32
    %scan3A_119 = scf.for %scan3A_266 = %scan3A_115 to %scan3A_117 step %scan3A_118 iter_args(%scan3A_267 = %scan3A_114) -> (i32)  : i32 {
      %get3A = arith.constant 1 : i32
      %get3A_268 = arith.index_cast %get3A : i32 to index
      %get3A_269 = arith.index_cast %scan3A_266 : i32 to index
      %get3A_270 = arith.constant 0 : index
      %get3A_271 = tpu.vector_load %arg6[%get3A_268, %get3A_269, %get3A_270] {strides = array<i32>} : memref<4x128x128xf32, #tpu.memory_space<vmem>>, vector<1x1x16xf32>,
      %get3A_272 = vector.shape_cast %get3A_271 : vector<1x1x16xf32> to vector<16xf32>
      %mul3A_273 = arith.constant 11.3137083 : f32
      %mul3A_274 = vector.broadcast %mul3A_273 : f32 to vector<16xf32>
      %mul3A_275 = arith.mulf %get3A_272, %mul3A_274 : vector<16xf32>
      %swap3A = arith.constant 1 : i32
      %swap3A_276 = arith.index_cast %swap3A : i32 to index
      %swap3A_277 = arith.index_cast %scan3A_266 : i32 to index
      %swap3A_278 = arith.constant 0 : index
      %swap3A_279 = tpu.vector_load %arg6[%swap3A_276, %swap3A_277, %swap3A_278] {strides = array<i32>} : memref<4x128x128xf32, #tpu.memory_space<vmem>>, vector<1x1x16xf32>,
      %swap3A_280 = vector.shape_cast %swap3A_279 : vector<1x1x16xf32> to vector<16xf32>
      %swap3A_281 = vector.shape_cast %mul3A_275 : vector<16xf32> to vector<1x1x16xf32>
      tpu.vector_store %arg6[%swap3A_276, %swap3A_277, %swap3A_278], %swap3A_281 {strides = array<i32>} : memref<4x128x128xf32, #tpu.memory_space<vmem>>, vector<1x1x16xf32>,
      %get3A_282 = arith.constant 1 : i32
      %get3A_283 = arith.index_cast %get3A_282 : i32 to index
      %get3A_284 = arith.index_cast %scan3A_266 : i32 to index
      %get3A_285 = arith.constant 16 : index
      %get3A_286 = tpu.vector_load %arg6[%get3A_283, %get3A_284, %get3A_285] {strides = array<i32>} : memref<4x128x128xf32, #tpu.memory_space<vmem>>, vector<1x1x16xf32>,
      %get3A_287 = vector.shape_cast %get3A_286 : vector<1x1x16xf32> to vector<16xf32>
      %mul3A_288 = arith.constant 11.3137083 : f32
      %mul3A_289 = vector.broadcast %mul3A_288 : f32 to vector<16xf32>
      %mul3A_290 = arith.mulf %get3A_287, %mul3A_289 : vector<16xf32>
      %swap3A_291 = arith.constant 1 : i32
      %swap3A_292 = arith.index_cast %swap3A_291 : i32 to index
      %swap3A_293 = arith.index_cast %scan3A_266 : i32 to index
      %swap3A_294 = arith.constant 16 : index
      %swap3A_295 = tpu.vector_load %arg6[%swap3A_292, %swap3A_293, %swap3A_294] {strides = array<i32>} : memref<4x128x128xf32, #tpu.memory_space<vmem>>, vector<1x1x16xf32>,
      %swap3A_296 = vector.shape_cast %swap3A_295 : vector<1x1x16xf32> to vector<16xf32>
      %swap3A_297 = vector.shape_cast %mul3A_290 : vector<16xf32> to vector<1x1x16xf32>
      tpu.vector_store %arg6[%swap3A_292, %swap3A_293, %swap3A_294], %swap3A_297 {strides = array<i32>} : memref<4x128x128xf32, #tpu.memory_space<vmem>>, vector<1x1x16xf32>,
      %get3A_298 = arith.constant 1 : i32
      %get3A_299 = arith.index_cast %get3A_298 : i32 to index
      %get3A_300 = arith.index_cast %scan3A_266 : i32 to index
      %get3A_301 = arith.constant 32 : index
      %get3A_302 = tpu.vector_load %arg6[%get3A_299, %get3A_300, %get3A_301] {strides = array<i32>} : memref<4x128x128xf32, #tpu.memory_space<vmem>>, vector<1x1x16xf32>,
      %get3A_303 = vector.shape_cast %get3A_302 : vector<1x1x16xf32> to vector<16xf32>
      %mul3A_304 = arith.constant 11.3137083 : f32
      %mul3A_305 = vector.broadcast %mul3A_304 : f32 to vector<16xf32>
      %mul3A_306 = arith.mulf %get3A_303, %mul3A_305 : vector<16xf32>
      %swap3A_307 = arith.constant 1 : i32
      %swap3A_308 = arith.index_cast %swap3A_307 : i32 to index
      %swap3A_309 = arith.index_cast %scan3A_266 : i32 to index
      %swap3A_310 = arith.constant 32 : index
      %swap3A_311 = tpu.vector_load %arg6[%swap3A_308, %swap3A_309, %swap3A_310] {strides = array<i32>} : memref<4x128x128xf32, #tpu.memory_space<vmem>>, vector<1x1x16xf32>,
      %swap3A_312 = vector.shape_cast %swap3A_311 : vector<1x1x16xf32> to vector<16xf32>
      %swap3A_313 = vector.shape_cast %mul3A_306 : vector<16xf32> to vector<1x1x16xf32>
      tpu.vector_store %arg6[%swap3A_308, %swap3A_309, %swap3A_310], %swap3A_313 {strides = array<i32>} : memref<4x128x128xf32, #tpu.memory_space<vmem>>, vector<1x1x16xf32>,
      %get3A_314 = arith.constant 1 : i32
      %get3A_315 = arith.index_cast %get3A_314 : i32 to index
      %get3A_316 = arith.index_cast %scan3A_266 : i32 to index
      %get3A_317 = arith.constant 48 : index
      %get3A_318 = tpu.vector_load %arg6[%get3A_315, %get3A_316, %get3A_317] {strides = array<i32>} : memref<4x128x128xf32, #tpu.memory_space<vmem>>, vector<1x1x16xf32>,
      %get3A_319 = vector.shape_cast %get3A_318 : vector<1x1x16xf32> to vector<16xf32>
      %mul3A_320 = arith.constant 11.3137083 : f32
      %mul3A_321 = vector.broadcast %mul3A_320 : f32 to vector<16xf32>
      %mul3A_322 = arith.mulf %get3A_319, %mul3A_321 : vector<16xf32>
      %swap3A_323 = arith.constant 1 : i32
      %swap3A_324 = arith.index_cast %swap3A_323 : i32 to index
      %swap3A_325 = arith.index_cast %scan3A_266 : i32 to index
      %swap3A_326 = arith.constant 48 : index
      %swap3A_327 = tpu.vector_load %arg6[%swap3A_324, %swap3A_325, %swap3A_326] {strides = array<i32>} : memref<4x128x128xf32, #tpu.memory_space<vmem>>, vector<1x1x16xf32>,
      %swap3A_328 = vector.shape_cast %swap3A_327 : vector<1x1x16xf32> to vector<16xf32>
      %swap3A_329 = vector.shape_cast %mul3A_322 : vector<16xf32> to vector<1x1x16xf32>
      tpu.vector_store %arg6[%swap3A_324, %swap3A_325, %swap3A_326], %swap3A_329 {strides = array<i32>} : memref<4x128x128xf32, #tpu.memory_space<vmem>>, vector<1x1x16xf32>,
      %get3A_330 = arith.constant 1 : i32
      %get3A_331 = arith.index_cast %get3A_330 : i32 to index
      %get3A_332 = arith.index_cast %scan3A_266 : i32 to index
      %get3A_333 = arith.constant 64 : index
      %get3A_334 = tpu.vector_load %arg6[%get3A_331, %get3A_332, %get3A_333] {strides = array<i32>} : memref<4x128x128xf32, #tpu.memory_space<vmem>>, vector<1x1x16xf32>,
      %get3A_335 = vector.shape_cast %get3A_334 : vector<1x1x16xf32> to vector<16xf32>
      %mul3A_336 = arith.constant 11.3137083 : f32
      %mul3A_337 = vector.broadcast %mul3A_336 : f32 to vector<16xf32>
      %mul3A_338 = arith.mulf %get3A_335, %mul3A_337 : vector<16xf32>
      %swap3A_339 = arith.constant 1 : i32
      %swap3A_340 = arith.index_cast %swap3A_339 : i32 to index
      %swap3A_341 = arith.index_cast %scan3A_266 : i32 to index
      %swap3A_342 = arith.constant 64 : index
      %swap3A_343 = tpu.vector_load %arg6[%swap3A_340, %swap3A_341, %swap3A_342] {strides = array<i32>} : memref<4x128x128xf32, #tpu.memory_space<vmem>>, vector<1x1x16xf32>,
      %swap3A_344 = vector.shape_cast %swap3A_343 : vector<1x1x16xf32> to vector<16xf32>
      %swap3A_345 = vector.shape_cast %mul3A_338 : vector<16xf32> to vector<1x1x16xf32>
      tpu.vector_store %arg6[%swap3A_340, %swap3A_341, %swap3A_342], %swap3A_345 {strides = array<i32>} : memref<4x128x128xf32, #tpu.memory_space<vmem>>, vector<1x1x16xf32>,
      %get3A_346 = arith.constant 1 : i32
      %get3A_347 = arith.index_cast %get3A_346 : i32 to index
      %get3A_348 = arith.index_cast %scan3A_266 : i32 to index
      %get3A_349 = arith.constant 80 : index
      %get3A_350 = tpu.vector_load %arg6[%get3A_347, %get3A_348, %get3A_349] {strides = array<i32>} : memref<4x128x128xf32, #tpu.memory_space<vmem>>, vector<1x1x16xf32>,
      %get3A_351 = vector.shape_cast %get3A_350 : vector<1x1x16xf32> to vector<16xf32>
      %mul3A_352 = arith.constant 11.3137083 : f32
      %mul3A_353 = vector.broadcast %mul3A_352 : f32 to vector<16xf32>
      %mul3A_354 = arith.mulf %get3A_351, %mul3A_353 : vector<16xf32>
      %swap3A_355 = arith.constant 1 : i32
      %swap3A_356 = arith.index_cast %swap3A_355 : i32 to index
      %swap3A_357 = arith.index_cast %scan3A_266 : i32 to index
      %swap3A_358 = arith.constant 80 : index
      %swap3A_359 = tpu.vector_load %arg6[%swap3A_356, %swap3A_357, %swap3A_358] {strides = array<i32>} : memref<4x128x128xf32, #tpu.memory_space<vmem>>, vector<1x1x16xf32>,
      %swap3A_360 = vector.shape_cast %swap3A_359 : vector<1x1x16xf32> to vector<16xf32>
      %swap3A_361 = vector.shape_cast %mul3A_354 : vector<16xf32> to vector<1x1x16xf32>
      tpu.vector_store %arg6[%swap3A_356, %swap3A_357, %swap3A_358], %swap3A_361 {strides = array<i32>} : memref<4x128x128xf32, #tpu.memory_space<vmem>>, vector<1x1x16xf32>,
      %get3A_362 = arith.constant 1 : i32
      %get3A_363 = arith.index_cast %get3A_362 : i32 to index
      %get3A_364 = arith.index_cast %scan3A_266 : i32 to index
      %get3A_365 = arith.constant 96 : index
      %get3A_366 = tpu.vector_load %arg6[%get3A_363, %get3A_364, %get3A_365] {strides = array<i32>} : memref<4x128x128xf32, #tpu.memory_space<vmem>>, vector<1x1x16xf32>,
      %get3A_367 = vector.shape_cast %get3A_366 : vector<1x1x16xf32> to vector<16xf32>
      %mul3A_368 = arith.constant 11.3137083 : f32
      %mul3A_369 = vector.broadcast %mul3A_368 : f32 to vector<16xf32>
      %mul3A_370 = arith.mulf %get3A_367, %mul3A_369 : vector<16xf32>
      %swap3A_371 = arith.constant 1 : i32
      %swap3A_372 = arith.index_cast %swap3A_371 : i32 to index
      %swap3A_373 = arith.index_cast %scan3A_266 : i32 to index
      %swap3A_374 = arith.constant 96 : index
      %swap3A_375 = tpu.vector_load %arg6[%swap3A_372, %swap3A_373, %swap3A_374] {strides = array<i32>} : memref<4x128x128xf32, #tpu.memory_space<vmem>>, vector<1x1x16xf32>,
      %swap3A_376 = vector.shape_cast %swap3A_375 : vector<1x1x16xf32> to vector<16xf32>
      %swap3A_377 = vector.shape_cast %mul3A_370 : vector<16xf32> to vector<1x1x16xf32>
      tpu.vector_store %arg6[%swap3A_372, %swap3A_373, %swap3A_374], %swap3A_377 {strides = array<i32>} : memref<4x128x128xf32, #tpu.memory_space<vmem>>, vector<1x1x16xf32>,
      %get3A_378 = arith.constant 1 : i32
      %get3A_379 = arith.index_cast %get3A_378 : i32 to index
      %get3A_380 = arith.index_cast %scan3A_266 : i32 to index
      %get3A_381 = arith.constant 112 : index
      %get3A_382 = tpu.vector_load %arg6[%get3A_379, %get3A_380, %get3A_381] {strides = array<i32>} : memref<4x128x128xf32, #tpu.memory_space<vmem>>, vector<1x1x16xf32>,
      %get3A_383 = vector.shape_cast %get3A_382 : vector<1x1x16xf32> to vector<16xf32>
      %mul3A_384 = arith.constant 11.3137083 : f32
      %mul3A_385 = vector.broadcast %mul3A_384 : f32 to vector<16xf32>
      %mul3A_386 = arith.mulf %get3A_383, %mul3A_385 : vector<16xf32>
      %swap3A_387 = arith.constant 1 : i32
      %swap3A_388 = arith.index_cast %swap3A_387 : i32 to index
      %swap3A_389 = arith.index_cast %scan3A_266 : i32 to index
      %swap3A_390 = arith.constant 112 : index
      %swap3A_391 = tpu.vector_load %arg6[%swap3A_388, %swap3A_389, %swap3A_390] {strides = array<i32>} : memref<4x128x128xf32, #tpu.memory_space<vmem>>, vector<1x1x16xf32>,
      %swap3A_392 = vector.shape_cast %swap3A_391 : vector<1x1x16xf32> to vector<16xf32>
      %swap3A_393 = vector.shape_cast %mul3A_386 : vector<16xf32> to vector<1x1x16xf32>
      tpu.vector_store %arg6[%swap3A_388, %swap3A_389, %swap3A_390], %swap3A_393 {strides = array<i32>} : memref<4x128x128xf32, #tpu.memory_space<vmem>>, vector<1x1x16xf32>,
      %scan3A_394 = arith.constant 0 : i32
      scf.yield %scan3A_394 : i32
    }
    %scan3A_120 = arith.constant 128 : i32
    %add3A_121 = arith.constant 128 : i32
    %add3A_122 = arith.addi %mul3A_32, %add3A_121 : i32
    %dma_start3A_123 = arith.constant 1 : i32
    %dma_start3A_124 = arith.constant 0 : i32
    %dma_start3A_125 = arith.constant 0 : i32
    %dma_start3A_126 = tpu.memref_slice %arg6[%dma_start3A_123, %dma_start3A_124, %dma_start3A_125] : memref<4x128x128xf32, #tpu.memory_space<vmem>> -> memref<1x128x128xf32, #tpu.memory_space<vmem>>
    %dma_start3A_127 = tpu.memref_squeeze %dma_start3A_126 : memref<1x128x128xf32, #tpu.memory_space<vmem>> -> memref<128x128xf32, #tpu.memory_space<vmem>>
    %dma_start3A_128 = arith.constant 0 : i32
    %dma_start3A_129 = tpu.memref_slice %arg4[%select_n3A, %add3A_122, %dma_start3A_128] : memref<4x4096x128xf32, #tpu.memory_space<hbm>> -> memref<1x128x128xf32, #tpu.memory_space<hbm>>
    %dma_start3A_130 = tpu.memref_squeeze %dma_start3A_129 : memref<1x128x128xf32, #tpu.memory_space<hbm>> -> memref<128x128xf32, #tpu.memory_space<hbm>>
    %dma_start3A_131 = arith.constant 0 : i32
    %dma_start3A_132 = tpu.memref_slice %arg4[%select_n3A, %add3A_122, %dma_start3A_131] : memref<4x4096x128xf32, #tpu.memory_space<hbm>> -> memref<1x128x128xf32, #tpu.memory_space<hbm>>
    %dma_start3A_133 = tpu.memref_squeeze %dma_start3A_132 : memref<1x128x128xf32, #tpu.memory_space<hbm>> -> memref<128x128xf32, #tpu.memory_space<hbm>>
    %dma_start3A_134 = arith.constant 0 : i32
    %dma_start3A_135 = arith.constant 0 : i32
    %dma_start3A_136 = tpu.memref_slice %arg6[%dma_start3A_123, %dma_start3A_134, %dma_start3A_135] : memref<4x128x128xf32, #tpu.memory_space<vmem>> -> memref<1x128x128xf32, #tpu.memory_space<vmem>>
    %dma_start3A_137 = tpu.memref_squeeze %dma_start3A_136 : memref<1x128x128xf32, #tpu.memory_space<vmem>> -> memref<128x128xf32, #tpu.memory_space<vmem>>
    tpu.enqueue_dma source(%dma_start3A_137 : memref<128x128xf32, #tpu.memory_space<vmem>>) target(%dma_start3A_133 : memref<128x128xf32, #tpu.memory_space<hbm>>) target_semaphore(%arg8 : memref<!tpu.dma_semaphore, #tpu.memory_space<semaphore_mem>>)
    %dma_wait3A_138 = arith.constant 2 : i32
    %dma_wait3A_139 = arith.constant 0 : i32
    %dma_wait3A_140 = arith.constant 0 : i32
    %dma_wait3A_141 = tpu.memref_slice %arg6[%dma_wait3A_138, %dma_wait3A_139, %dma_wait3A_140] : memref<4x128x128xf32, #tpu.memory_space<vmem>> -> memref<1x128x128xf32, #tpu.memory_space<vmem>>
    %dma_wait3A_142 = tpu.memref_squeeze %dma_wait3A_141 : memref<1x128x128xf32, #tpu.memory_space<vmem>> -> memref<128x128xf32, #tpu.memory_space<vmem>>
    %dma_wait3A_143 = arith.constant 256 : i32
    %dma_wait3A_144 = tpu.memref_slice %arg5[%dma_wait3A_143] : memref<512xi32, #tpu.memory_space<vmem>> -> memref<128xi32, #tpu.memory_space<vmem>>
    %dma_wait3A_145 = arith.constant 0 : i32
    %dma_wait3A_146 = arith.constant 0 : i32
    %dma_wait3A_147 = tpu.memref_slice %arg2[%dma_wait3A_145, %dma_wait3A_146] : memref<100000x128xf32, #tpu.memory_space<hbm>> -> memref<100000x128xf32, #tpu.memory_space<hbm>>
    tpu.wait_indirect_dma semaphore(%arg7 : memref<!tpu.dma_semaphore, #tpu.memory_space<semaphore_mem>>) src(%dma_wait3A_147 : memref<100000x128xf32, #tpu.memory_space<hbm>>) dst(%dma_wait3A_142 : memref<128x128xf32, #tpu.memory_space<vmem>>)
    %scan3A_148 = arith.constant 0 : i32
    %scan3A_149 = arith.constant 0 : i32
    %scan3A_150 = arith.constant 128 : i32
    %scan3A_151 = arith.addi %scan3A_149, %scan3A_150 : i32
    %scan3A_152 = arith.constant 1 : i32
    %scan3A_153 = scf.for %scan3A_266 = %scan3A_149 to %scan3A_151 step %scan3A_152 iter_args(%scan3A_267 = %scan3A_148) -> (i32)  : i32 {
      %get3A = arith.constant 2 : i32
      %get3A_268 = arith.index_cast %get3A : i32 to index
      %get3A_269 = arith.index_cast %scan3A_266 : i32 to index
      %get3A_270 = arith.constant 0 : index
      %get3A_271 = tpu.vector_load %arg6[%get3A_268, %get3A_269, %get3A_270] {strides = array<i32>} : memref<4x128x128xf32, #tpu.memory_space<vmem>>, vector<1x1x16xf32>,
      %get3A_272 = vector.shape_cast %get3A_271 : vector<1x1x16xf32> to vector<16xf32>
      %mul3A_273 = arith.constant 11.3137083 : f32
      %mul3A_274 = vector.broadcast %mul3A_273 : f32 to vector<16xf32>
      %mul3A_275 = arith.mulf %get3A_272, %mul3A_274 : vector<16xf32>
      %swap3A = arith.constant 2 : i32
      %swap3A_276 = arith.index_cast %swap3A : i32 to index
      %swap3A_277 = arith.index_cast %scan3A_266 : i32 to index
      %swap3A_278 = arith.constant 0 : index
      %swap3A_279 = tpu.vector_load %arg6[%swap3A_276, %swap3A_277, %swap3A_278] {strides = array<i32>} : memref<4x128x128xf32, #tpu.memory_space<vmem>>, vector<1x1x16xf32>,
      %swap3A_280 = vector.shape_cast %swap3A_279 : vector<1x1x16xf32> to vector<16xf32>
      %swap3A_281 = vector.shape_cast %mul3A_275 : vector<16xf32> to vector<1x1x16xf32>
      tpu.vector_store %arg6[%swap3A_276, %swap3A_277, %swap3A_278], %swap3A_281 {strides = array<i32>} : memref<4x128x128xf32, #tpu.memory_space<vmem>>, vector<1x1x16xf32>,
      %get3A_282 = arith.constant 2 : i32
      %get3A_283 = arith.index_cast %get3A_282 : i32 to index
      %get3A_284 = arith.index_cast %scan3A_266 : i32 to index
      %get3A_285 = arith.constant 16 : index
      %get3A_286 = tpu.vector_load %arg6[%get3A_283, %get3A_284, %get3A_285] {strides = array<i32>} : memref<4x128x128xf32, #tpu.memory_space<vmem>>, vector<1x1x16xf32>,
      %get3A_287 = vector.shape_cast %get3A_286 : vector<1x1x16xf32> to vector<16xf32>
      %mul3A_288 = arith.constant 11.3137083 : f32
      %mul3A_289 = vector.broadcast %mul3A_288 : f32 to vector<16xf32>
      %mul3A_290 = arith.mulf %get3A_287, %mul3A_289 : vector<16xf32>
      %swap3A_291 = arith.constant 2 : i32
      %swap3A_292 = arith.index_cast %swap3A_291 : i32 to index
      %swap3A_293 = arith.index_cast %scan3A_266 : i32 to index
      %swap3A_294 = arith.constant 16 : index
      %swap3A_295 = tpu.vector_load %arg6[%swap3A_292, %swap3A_293, %swap3A_294] {strides = array<i32>} : memref<4x128x128xf32, #tpu.memory_space<vmem>>, vector<1x1x16xf32>,
      %swap3A_296 = vector.shape_cast %swap3A_295 : vector<1x1x16xf32> to vector<16xf32>
      %swap3A_297 = vector.shape_cast %mul3A_290 : vector<16xf32> to vector<1x1x16xf32>
      tpu.vector_store %arg6[%swap3A_292, %swap3A_293, %swap3A_294], %swap3A_297 {strides = array<i32>} : memref<4x128x128xf32, #tpu.memory_space<vmem>>, vector<1x1x16xf32>,
      %get3A_298 = arith.constant 2 : i32
      %get3A_299 = arith.index_cast %get3A_298 : i32 to index
      %get3A_300 = arith.index_cast %scan3A_266 : i32 to index
      %get3A_301 = arith.constant 32 : index
      %get3A_302 = tpu.vector_load %arg6[%get3A_299, %get3A_300, %get3A_301] {strides = array<i32>} : memref<4x128x128xf32, #tpu.memory_space<vmem>>, vector<1x1x16xf32>,
      %get3A_303 = vector.shape_cast %get3A_302 : vector<1x1x16xf32> to vector<16xf32>
      %mul3A_304 = arith.constant 11.3137083 : f32
      %mul3A_305 = vector.broadcast %mul3A_304 : f32 to vector<16xf32>
      %mul3A_306 = arith.mulf %get3A_303, %mul3A_305 : vector<16xf32>
      %swap3A_307 = arith.constant 2 : i32
      %swap3A_308 = arith.index_cast %swap3A_307 : i32 to index
      %swap3A_309 = arith.index_cast %scan3A_266 : i32 to index
      %swap3A_310 = arith.constant 32 : index
      %swap3A_311 = tpu.vector_load %arg6[%swap3A_308, %swap3A_309, %swap3A_310] {strides = array<i32>} : memref<4x128x128xf32, #tpu.memory_space<vmem>>, vector<1x1x16xf32>,
      %swap3A_312 = vector.shape_cast %swap3A_311 : vector<1x1x16xf32> to vector<16xf32>
      %swap3A_313 = vector.shape_cast %mul3A_306 : vector<16xf32> to vector<1x1x16xf32>
      tpu.vector_store %arg6[%swap3A_308, %swap3A_309, %swap3A_310], %swap3A_313 {strides = array<i32>} : memref<4x128x128xf32, #tpu.memory_space<vmem>>, vector<1x1x16xf32>,
      %get3A_314 = arith.constant 2 : i32
      %get3A_315 = arith.index_cast %get3A_314 : i32 to index
      %get3A_316 = arith.index_cast %scan3A_266 : i32 to index
      %get3A_317 = arith.constant 48 : index
      %get3A_318 = tpu.vector_load %arg6[%get3A_315, %get3A_316, %get3A_317] {strides = array<i32>} : memref<4x128x128xf32, #tpu.memory_space<vmem>>, vector<1x1x16xf32>,
      %get3A_319 = vector.shape_cast %get3A_318 : vector<1x1x16xf32> to vector<16xf32>
      %mul3A_320 = arith.constant 11.3137083 : f32
      %mul3A_321 = vector.broadcast %mul3A_320 : f32 to vector<16xf32>
      %mul3A_322 = arith.mulf %get3A_319, %mul3A_321 : vector<16xf32>
      %swap3A_323 = arith.constant 2 : i32
      %swap3A_324 = arith.index_cast %swap3A_323 : i32 to index
      %swap3A_325 = arith.index_cast %scan3A_266 : i32 to index
      %swap3A_326 = arith.constant 48 : index
      %swap3A_327 = tpu.vector_load %arg6[%swap3A_324, %swap3A_325, %swap3A_326] {strides = array<i32>} : memref<4x128x128xf32, #tpu.memory_space<vmem>>, vector<1x1x16xf32>,
      %swap3A_328 = vector.shape_cast %swap3A_327 : vector<1x1x16xf32> to vector<16xf32>
      %swap3A_329 = vector.shape_cast %mul3A_322 : vector<16xf32> to vector<1x1x16xf32>
      tpu.vector_store %arg6[%swap3A_324, %swap3A_325, %swap3A_326], %swap3A_329 {strides = array<i32>} : memref<4x128x128xf32, #tpu.memory_space<vmem>>, vector<1x1x16xf32>,
      %get3A_330 = arith.constant 2 : i32
      %get3A_331 = arith.index_cast %get3A_330 : i32 to index
      %get3A_332 = arith.index_cast %scan3A_266 : i32 to index
      %get3A_333 = arith.constant 64 : index
      %get3A_334 = tpu.vector_load %arg6[%get3A_331, %get3A_332, %get3A_333] {strides = array<i32>} : memref<4x128x128xf32, #tpu.memory_space<vmem>>, vector<1x1x16xf32>,
      %get3A_335 = vector.shape_cast %get3A_334 : vector<1x1x16xf32> to vector<16xf32>
      %mul3A_336 = arith.constant 11.3137083 : f32
      %mul3A_337 = vector.broadcast %mul3A_336 : f32 to vector<16xf32>
      %mul3A_338 = arith.mulf %get3A_335, %mul3A_337 : vector<16xf32>
      %swap3A_339 = arith.constant 2 : i32
      %swap3A_340 = arith.index_cast %swap3A_339 : i32 to index
      %swap3A_341 = arith.index_cast %scan3A_266 : i32 to index
      %swap3A_342 = arith.constant 64 : index
      %swap3A_343 = tpu.vector_load %arg6[%swap3A_340, %swap3A_341, %swap3A_342] {strides = array<i32>} : memref<4x128x128xf32, #tpu.memory_space<vmem>>, vector<1x1x16xf32>,
      %swap3A_344 = vector.shape_cast %swap3A_343 : vector<1x1x16xf32> to vector<16xf32>
      %swap3A_345 = vector.shape_cast %mul3A_338 : vector<16xf32> to vector<1x1x16xf32>
      tpu.vector_store %arg6[%swap3A_340, %swap3A_341, %swap3A_342], %swap3A_345 {strides = array<i32>} : memref<4x128x128xf32, #tpu.memory_space<vmem>>, vector<1x1x16xf32>,
      %get3A_346 = arith.constant 2 : i32
      %get3A_347 = arith.index_cast %get3A_346 : i32 to index
      %get3A_348 = arith.index_cast %scan3A_266 : i32 to index
      %get3A_349 = arith.constant 80 : index
      %get3A_350 = tpu.vector_load %arg6[%get3A_347, %get3A_348, %get3A_349] {strides = array<i32>} : memref<4x128x128xf32, #tpu.memory_space<vmem>>, vector<1x1x16xf32>,
      %get3A_351 = vector.shape_cast %get3A_350 : vector<1x1x16xf32> to vector<16xf32>
      %mul3A_352 = arith.constant 11.3137083 : f32
      %mul3A_353 = vector.broadcast %mul3A_352 : f32 to vector<16xf32>
      %mul3A_354 = arith.mulf %get3A_351, %mul3A_353 : vector<16xf32>
      %swap3A_355 = arith.constant 2 : i32
      %swap3A_356 = arith.index_cast %swap3A_355 : i32 to index
      %swap3A_357 = arith.index_cast %scan3A_266 : i32 to index
      %swap3A_358 = arith.constant 80 : index
      %swap3A_359 = tpu.vector_load %arg6[%swap3A_356, %swap3A_357, %swap3A_358] {strides = array<i32>} : memref<4x128x128xf32, #tpu.memory_space<vmem>>, vector<1x1x16xf32>,
      %swap3A_360 = vector.shape_cast %swap3A_359 : vector<1x1x16xf32> to vector<16xf32>
      %swap3A_361 = vector.shape_cast %mul3A_354 : vector<16xf32> to vector<1x1x16xf32>
      tpu.vector_store %arg6[%swap3A_356, %swap3A_357, %swap3A_358], %swap3A_361 {strides = array<i32>} : memref<4x128x128xf32, #tpu.memory_space<vmem>>, vector<1x1x16xf32>,
      %get3A_362 = arith.constant 2 : i32
      %get3A_363 = arith.index_cast %get3A_362 : i32 to index
      %get3A_364 = arith.index_cast %scan3A_266 : i32 to index
      %get3A_365 = arith.constant 96 : index
      %get3A_366 = tpu.vector_load %arg6[%get3A_363, %get3A_364, %get3A_365] {strides = array<i32>} : memref<4x128x128xf32, #tpu.memory_space<vmem>>, vector<1x1x16xf32>,
      %get3A_367 = vector.shape_cast %get3A_366 : vector<1x1x16xf32> to vector<16xf32>
      %mul3A_368 = arith.constant 11.3137083 : f32
      %mul3A_369 = vector.broadcast %mul3A_368 : f32 to vector<16xf32>
      %mul3A_370 = arith.mulf %get3A_367, %mul3A_369 : vector<16xf32>
      %swap3A_371 = arith.constant 2 : i32
      %swap3A_372 = arith.index_cast %swap3A_371 : i32 to index
      %swap3A_373 = arith.index_cast %scan3A_266 : i32 to index
      %swap3A_374 = arith.constant 96 : index
      %swap3A_375 = tpu.vector_load %arg6[%swap3A_372, %swap3A_373, %swap3A_374] {strides = array<i32>} : memref<4x128x128xf32, #tpu.memory_space<vmem>>, vector<1x1x16xf32>,
      %swap3A_376 = vector.shape_cast %swap3A_375 : vector<1x1x16xf32> to vector<16xf32>
      %swap3A_377 = vector.shape_cast %mul3A_370 : vector<16xf32> to vector<1x1x16xf32>
      tpu.vector_store %arg6[%swap3A_372, %swap3A_373, %swap3A_374], %swap3A_377 {strides = array<i32>} : memref<4x128x128xf32, #tpu.memory_space<vmem>>, vector<1x1x16xf32>,
      %get3A_378 = arith.constant 2 : i32
      %get3A_379 = arith.index_cast %get3A_378 : i32 to index
      %get3A_380 = arith.index_cast %scan3A_266 : i32 to index
      %get3A_381 = arith.constant 112 : index
      %get3A_382 = tpu.vector_load %arg6[%get3A_379, %get3A_380, %get3A_381] {strides = array<i32>} : memref<4x128x128xf32, #tpu.memory_space<vmem>>, vector<1x1x16xf32>,
      %get3A_383 = vector.shape_cast %get3A_382 : vector<1x1x16xf32> to vector<16xf32>
      %mul3A_384 = arith.constant 11.3137083 : f32
      %mul3A_385 = vector.broadcast %mul3A_384 : f32 to vector<16xf32>
      %mul3A_386 = arith.mulf %get3A_383, %mul3A_385 : vector<16xf32>
      %swap3A_387 = arith.constant 2 : i32
      %swap3A_388 = arith.index_cast %swap3A_387 : i32 to index
      %swap3A_389 = arith.index_cast %scan3A_266 : i32 to index
      %swap3A_390 = arith.constant 112 : index
      %swap3A_391 = tpu.vector_load %arg6[%swap3A_388, %swap3A_389, %swap3A_390] {strides = array<i32>} : memref<4x128x128xf32, #tpu.memory_space<vmem>>, vector<1x1x16xf32>,
      %swap3A_392 = vector.shape_cast %swap3A_391 : vector<1x1x16xf32> to vector<16xf32>
      %swap3A_393 = vector.shape_cast %mul3A_386 : vector<16xf32> to vector<1x1x16xf32>
      tpu.vector_store %arg6[%swap3A_388, %swap3A_389, %swap3A_390], %swap3A_393 {strides = array<i32>} : memref<4x128x128xf32, #tpu.memory_space<vmem>>, vector<1x1x16xf32>,
      %scan3A_394 = arith.constant 0 : i32
      scf.yield %scan3A_394 : i32
    }
    %scan3A_154 = arith.constant 128 : i32
    %add3A_155 = arith.constant 256 : i32
    %add3A_156 = arith.addi %mul3A_32, %add3A_155 : i32
    %dma_start3A_157 = arith.constant 2 : i32
    %dma_start3A_158 = arith.constant 0 : i32
    %dma_start3A_159 = arith.constant 0 : i32
    %dma_start3A_160 = tpu.memref_slice %arg6[%dma_start3A_157, %dma_start3A_158, %dma_start3A_159] : memref<4x128x128xf32, #tpu.memory_space<vmem>> -> memref<1x128x128xf32, #tpu.memory_space<vmem>>
    %dma_start3A_161 = tpu.memref_squeeze %dma_start3A_160 : memref<1x128x128xf32, #tpu.memory_space<vmem>> -> memref<128x128xf32, #tpu.memory_space<vmem>>
    %dma_start3A_162 = arith.constant 0 : i32
    %dma_start3A_163 = tpu.memref_slice %arg4[%select_n3A, %add3A_156, %dma_start3A_162] : memref<4x4096x128xf32, #tpu.memory_space<hbm>> -> memref<1x128x128xf32, #tpu.memory_space<hbm>>
    %dma_start3A_164 = tpu.memref_squeeze %dma_start3A_163 : memref<1x128x128xf32, #tpu.memory_space<hbm>> -> memref<128x128xf32, #tpu.memory_space<hbm>>
    %dma_start3A_165 = arith.constant 0 : i32
    %dma_start3A_166 = tpu.memref_slice %arg4[%select_n3A, %add3A_156, %dma_start3A_165] : memref<4x4096x128xf32, #tpu.memory_space<hbm>> -> memref<1x128x128xf32, #tpu.memory_space<hbm>>
    %dma_start3A_167 = tpu.memref_squeeze %dma_start3A_166 : memref<1x128x128xf32, #tpu.memory_space<hbm>> -> memref<128x128xf32, #tpu.memory_space<hbm>>
    %dma_start3A_168 = arith.constant 0 : i32
    %dma_start3A_169 = arith.constant 0 : i32
    %dma_start3A_170 = tpu.memref_slice %arg6[%dma_start3A_157, %dma_start3A_168, %dma_start3A_169] : memref<4x128x128xf32, #tpu.memory_space<vmem>> -> memref<1x128x128xf32, #tpu.memory_space<vmem>>
    %dma_start3A_171 = tpu.memref_squeeze %dma_start3A_170 : memref<1x128x128xf32, #tpu.memory_space<vmem>> -> memref<128x128xf32, #tpu.memory_space<vmem>>
    tpu.enqueue_dma source(%dma_start3A_171 : memref<128x128xf32, #tpu.memory_space<vmem>>) target(%dma_start3A_167 : memref<128x128xf32, #tpu.memory_space<hbm>>) target_semaphore(%arg8 : memref<!tpu.dma_semaphore, #tpu.memory_space<semaphore_mem>>)
    %dma_wait3A_172 = arith.constant 3 : i32
    %dma_wait3A_173 = arith.constant 0 : i32
    %dma_wait3A_174 = arith.constant 0 : i32
    %dma_wait3A_175 = tpu.memref_slice %arg6[%dma_wait3A_172, %dma_wait3A_173, %dma_wait3A_174] : memref<4x128x128xf32, #tpu.memory_space<vmem>> -> memref<1x128x128xf32, #tpu.memory_space<vmem>>
    %dma_wait3A_176 = tpu.memref_squeeze %dma_wait3A_175 : memref<1x128x128xf32, #tpu.memory_space<vmem>> -> memref<128x128xf32, #tpu.memory_space<vmem>>
    %dma_wait3A_177 = arith.constant 384 : i32
    %dma_wait3A_178 = tpu.memref_slice %arg5[%dma_wait3A_177] : memref<512xi32, #tpu.memory_space<vmem>> -> memref<128xi32, #tpu.memory_space<vmem>>
    %dma_wait3A_179 = arith.constant 0 : i32
    %dma_wait3A_180 = arith.constant 0 : i32
    %dma_wait3A_181 = tpu.memref_slice %arg2[%dma_wait3A_179, %dma_wait3A_180] : memref<100000x128xf32, #tpu.memory_space<hbm>> -> memref<100000x128xf32, #tpu.memory_space<hbm>>
    tpu.wait_indirect_dma semaphore(%arg7 : memref<!tpu.dma_semaphore, #tpu.memory_space<semaphore_mem>>) src(%dma_wait3A_181 : memref<100000x128xf32, #tpu.memory_space<hbm>>) dst(%dma_wait3A_176 : memref<128x128xf32, #tpu.memory_space<vmem>>)
    %scan3A_182 = arith.constant 0 : i32
    %scan3A_183 = arith.constant 0 : i32
    %scan3A_184 = arith.constant 128 : i32
    %scan3A_185 = arith.addi %scan3A_183, %scan3A_184 : i32
    %scan3A_186 = arith.constant 1 : i32
    %scan3A_187 = scf.for %scan3A_266 = %scan3A_183 to %scan3A_185 step %scan3A_186 iter_args(%scan3A_267 = %scan3A_182) -> (i32)  : i32 {
      %get3A = arith.constant 3 : i32
      %get3A_268 = arith.index_cast %get3A : i32 to index
      %get3A_269 = arith.index_cast %scan3A_266 : i32 to index
      %get3A_270 = arith.constant 0 : index
      %get3A_271 = tpu.vector_load %arg6[%get3A_268, %get3A_269, %get3A_270] {strides = array<i32>} : memref<4x128x128xf32, #tpu.memory_space<vmem>>, vector<1x1x16xf32>,
      %get3A_272 = vector.shape_cast %get3A_271 : vector<1x1x16xf32> to vector<16xf32>
      %mul3A_273 = arith.constant 11.3137083 : f32
      %mul3A_274 = vector.broadcast %mul3A_273 : f32 to vector<16xf32>
      %mul3A_275 = arith.mulf %get3A_272, %mul3A_274 : vector<16xf32>
      %swap3A = arith.constant 3 : i32
      %swap3A_276 = arith.index_cast %swap3A : i32 to index
      %swap3A_277 = arith.index_cast %scan3A_266 : i32 to index
      %swap3A_278 = arith.constant 0 : index
      %swap3A_279 = tpu.vector_load %arg6[%swap3A_276, %swap3A_277, %swap3A_278] {strides = array<i32>} : memref<4x128x128xf32, #tpu.memory_space<vmem>>, vector<1x1x16xf32>,
      %swap3A_280 = vector.shape_cast %swap3A_279 : vector<1x1x16xf32> to vector<16xf32>
      %swap3A_281 = vector.shape_cast %mul3A_275 : vector<16xf32> to vector<1x1x16xf32>
      tpu.vector_store %arg6[%swap3A_276, %swap3A_277, %swap3A_278], %swap3A_281 {strides = array<i32>} : memref<4x128x128xf32, #tpu.memory_space<vmem>>, vector<1x1x16xf32>,
      %get3A_282 = arith.constant 3 : i32
      %get3A_283 = arith.index_cast %get3A_282 : i32 to index
      %get3A_284 = arith.index_cast %scan3A_266 : i32 to index
      %get3A_285 = arith.constant 16 : index
      %get3A_286 = tpu.vector_load %arg6[%get3A_283, %get3A_284, %get3A_285] {strides = array<i32>} : memref<4x128x128xf32, #tpu.memory_space<vmem>>, vector<1x1x16xf32>,
      %get3A_287 = vector.shape_cast %get3A_286 : vector<1x1x16xf32> to vector<16xf32>
      %mul3A_288 = arith.constant 11.3137083 : f32
      %mul3A_289 = vector.broadcast %mul3A_288 : f32 to vector<16xf32>
      %mul3A_290 = arith.mulf %get3A_287, %mul3A_289 : vector<16xf32>
      %swap3A_291 = arith.constant 3 : i32
      %swap3A_292 = arith.index_cast %swap3A_291 : i32 to index
      %swap3A_293 = arith.index_cast %scan3A_266 : i32 to index
      %swap3A_294 = arith.constant 16 : index
      %swap3A_295 = tpu.vector_load %arg6[%swap3A_292, %swap3A_293, %swap3A_294] {strides = array<i32>} : memref<4x128x128xf32, #tpu.memory_space<vmem>>, vector<1x1x16xf32>,
      %swap3A_296 = vector.shape_cast %swap3A_295 : vector<1x1x16xf32> to vector<16xf32>
      %swap3A_297 = vector.shape_cast %mul3A_290 : vector<16xf32> to vector<1x1x16xf32>
      tpu.vector_store %arg6[%swap3A_292, %swap3A_293, %swap3A_294], %swap3A_297 {strides = array<i32>} : memref<4x128x128xf32, #tpu.memory_space<vmem>>, vector<1x1x16xf32>,
      %get3A_298 = arith.constant 3 : i32
      %get3A_299 = arith.index_cast %get3A_298 : i32 to index
      %get3A_300 = arith.index_cast %scan3A_266 : i32 to index
      %get3A_301 = arith.constant 32 : index
      %get3A_302 = tpu.vector_load %arg6[%get3A_299, %get3A_300, %get3A_301] {strides = array<i32>} : memref<4x128x128xf32, #tpu.memory_space<vmem>>, vector<1x1x16xf32>,
      %get3A_303 = vector.shape_cast %get3A_302 : vector<1x1x16xf32> to vector<16xf32>
      %mul3A_304 = arith.constant 11.3137083 : f32
      %mul3A_305 = vector.broadcast %mul3A_304 : f32 to vector<16xf32>
      %mul3A_306 = arith.mulf %get3A_303, %mul3A_305 : vector<16xf32>
      %swap3A_307 = arith.constant 3 : i32
      %swap3A_308 = arith.index_cast %swap3A_307 : i32 to index
      %swap3A_309 = arith.index_cast %scan3A_266 : i32 to index
      %swap3A_310 = arith.constant 32 : index
      %swap3A_311 = tpu.vector_load %arg6[%swap3A_308, %swap3A_309, %swap3A_310] {strides = array<i32>} : memref<4x128x128xf32, #tpu.memory_space<vmem>>, vector<1x1x16xf32>,
      %swap3A_312 = vector.shape_cast %swap3A_311 : vector<1x1x16xf32> to vector<16xf32>
      %swap3A_313 = vector.shape_cast %mul3A_306 : vector<16xf32> to vector<1x1x16xf32>
      tpu.vector_store %arg6[%swap3A_308, %swap3A_309, %swap3A_310], %swap3A_313 {strides = array<i32>} : memref<4x128x128xf32, #tpu.memory_space<vmem>>, vector<1x1x16xf32>,
      %get3A_314 = arith.constant 3 : i32
      %get3A_315 = arith.index_cast %get3A_314 : i32 to index
      %get3A_316 = arith.index_cast %scan3A_266 : i32 to index
      %get3A_317 = arith.constant 48 : index
      %get3A_318 = tpu.vector_load %arg6[%get3A_315, %get3A_316, %get3A_317] {strides = array<i32>} : memref<4x128x128xf32, #tpu.memory_space<vmem>>, vector<1x1x16xf32>,
      %get3A_319 = vector.shape_cast %get3A_318 : vector<1x1x16xf32> to vector<16xf32>
      %mul3A_320 = arith.constant 11.3137083 : f32
      %mul3A_321 = vector.broadcast %mul3A_320 : f32 to vector<16xf32>
      %mul3A_322 = arith.mulf %get3A_319, %mul3A_321 : vector<16xf32>
      %swap3A_323 = arith.constant 3 : i32
      %swap3A_324 = arith.index_cast %swap3A_323 : i32 to index
      %swap3A_325 = arith.index_cast %scan3A_266 : i32 to index
      %swap3A_326 = arith.constant 48 : index
      %swap3A_327 = tpu.vector_load %arg6[%swap3A_324, %swap3A_325, %swap3A_326] {strides = array<i32>} : memref<4x128x128xf32, #tpu.memory_space<vmem>>, vector<1x1x16xf32>,
      %swap3A_328 = vector.shape_cast %swap3A_327 : vector<1x1x16xf32> to vector<16xf32>
      %swap3A_329 = vector.shape_cast %mul3A_322 : vector<16xf32> to vector<1x1x16xf32>
      tpu.vector_store %arg6[%swap3A_324, %swap3A_325, %swap3A_326], %swap3A_329 {strides = array<i32>} : memref<4x128x128xf32, #tpu.memory_space<vmem>>, vector<1x1x16xf32>,
      %get3A_330 = arith.constant 3 : i32
      %get3A_331 = arith.index_cast %get3A_330 : i32 to index
      %get3A_332 = arith.index_cast %scan3A_266 : i32 to index
      %get3A_333 = arith.constant 64 : index
      %get3A_334 = tpu.vector_load %arg6[%get3A_331, %get3A_332, %get3A_333] {strides = array<i32>} : memref<4x128x128xf32, #tpu.memory_space<vmem>>, vector<1x1x16xf32>,
      %get3A_335 = vector.shape_cast %get3A_334 : vector<1x1x16xf32> to vector<16xf32>
      %mul3A_336 = arith.constant 11.3137083 : f32
      %mul3A_337 = vector.broadcast %mul3A_336 : f32 to vector<16xf32>
      %mul3A_338 = arith.mulf %get3A_335, %mul3A_337 : vector<16xf32>
      %swap3A_339 = arith.constant 3 : i32
      %swap3A_340 = arith.index_cast %swap3A_339 : i32 to index
      %swap3A_341 = arith.index_cast %scan3A_266 : i32 to index
      %swap3A_342 = arith.constant 64 : index
      %swap3A_343 = tpu.vector_load %arg6[%swap3A_340, %swap3A_341, %swap3A_342] {strides = array<i32>} : memref<4x128x128xf32, #tpu.memory_space<vmem>>, vector<1x1x16xf32>,
      %swap3A_344 = vector.shape_cast %swap3A_343 : vector<1x1x16xf32> to vector<16xf32>
      %swap3A_345 = vector.shape_cast %mul3A_338 : vector<16xf32> to vector<1x1x16xf32>
      tpu.vector_store %arg6[%swap3A_340, %swap3A_341, %swap3A_342], %swap3A_345 {strides = array<i32>} : memref<4x128x128xf32, #tpu.memory_space<vmem>>, vector<1x1x16xf32>,
      %get3A_346 = arith.constant 3 : i32
      %get3A_347 = arith.index_cast %get3A_346 : i32 to index
      %get3A_348 = arith.index_cast %scan3A_266 : i32 to index
      %get3A_349 = arith.constant 80 : index
      %get3A_350 = tpu.vector_load %arg6[%get3A_347, %get3A_348, %get3A_349] {strides = array<i32>} : memref<4x128x128xf32, #tpu.memory_space<vmem>>, vector<1x1x16xf32>,
      %get3A_351 = vector.shape_cast %get3A_350 : vector<1x1x16xf32> to vector<16xf32>
      %mul3A_352 = arith.constant 11.3137083 : f32
      %mul3A_353 = vector.broadcast %mul3A_352 : f32 to vector<16xf32>
      %mul3A_354 = arith.mulf %get3A_351, %mul3A_353 : vector<16xf32>
      %swap3A_355 = arith.constant 3 : i32
      %swap3A_356 = arith.index_cast %swap3A_355 : i32 to index
      %swap3A_357 = arith.index_cast %scan3A_266 : i32 to index
      %swap3A_358 = arith.constant 80 : index
      %swap3A_359 = tpu.vector_load %arg6[%swap3A_356, %swap3A_357, %swap3A_358] {strides = array<i32>} : memref<4x128x128xf32, #tpu.memory_space<vmem>>, vector<1x1x16xf32>,
      %swap3A_360 = vector.shape_cast %swap3A_359 : vector<1x1x16xf32> to vector<16xf32>
      %swap3A_361 = vector.shape_cast %mul3A_354 : vector<16xf32> to vector<1x1x16xf32>
      tpu.vector_store %arg6[%swap3A_356, %swap3A_357, %swap3A_358], %swap3A_361 {strides = array<i32>} : memref<4x128x128xf32, #tpu.memory_space<vmem>>, vector<1x1x16xf32>,
      %get3A_362 = arith.constant 3 : i32
      %get3A_363 = arith.index_cast %get3A_362 : i32 to index
      %get3A_364 = arith.index_cast %scan3A_266 : i32 to index
      %get3A_365 = arith.constant 96 : index
      %get3A_366 = tpu.vector_load %arg6[%get3A_363, %get3A_364, %get3A_365] {strides = array<i32>} : memref<4x128x128xf32, #tpu.memory_space<vmem>>, vector<1x1x16xf32>,
      %get3A_367 = vector.shape_cast %get3A_366 : vector<1x1x16xf32> to vector<16xf32>
      %mul3A_368 = arith.constant 11.3137083 : f32
      %mul3A_369 = vector.broadcast %mul3A_368 : f32 to vector<16xf32>
      %mul3A_370 = arith.mulf %get3A_367, %mul3A_369 : vector<16xf32>
      %swap3A_371 = arith.constant 3 : i32
      %swap3A_372 = arith.index_cast %swap3A_371 : i32 to index
      %swap3A_373 = arith.index_cast %scan3A_266 : i32 to index
      %swap3A_374 = arith.constant 96 : index
      %swap3A_375 = tpu.vector_load %arg6[%swap3A_372, %swap3A_373, %swap3A_374] {strides = array<i32>} : memref<4x128x128xf32, #tpu.memory_space<vmem>>, vector<1x1x16xf32>,
      %swap3A_376 = vector.shape_cast %swap3A_375 : vector<1x1x16xf32> to vector<16xf32>
      %swap3A_377 = vector.shape_cast %mul3A_370 : vector<16xf32> to vector<1x1x16xf32>
      tpu.vector_store %arg6[%swap3A_372, %swap3A_373, %swap3A_374], %swap3A_377 {strides = array<i32>} : memref<4x128x128xf32, #tpu.memory_space<vmem>>, vector<1x1x16xf32>,
      %get3A_378 = arith.constant 3 : i32
      %get3A_379 = arith.index_cast %get3A_378 : i32 to index
      %get3A_380 = arith.index_cast %scan3A_266 : i32 to index
      %get3A_381 = arith.constant 112 : index
      %get3A_382 = tpu.vector_load %arg6[%get3A_379, %get3A_380, %get3A_381] {strides = array<i32>} : memref<4x128x128xf32, #tpu.memory_space<vmem>>, vector<1x1x16xf32>,
      %get3A_383 = vector.shape_cast %get3A_382 : vector<1x1x16xf32> to vector<16xf32>
      %mul3A_384 = arith.constant 11.3137083 : f32
      %mul3A_385 = vector.broadcast %mul3A_384 : f32 to vector<16xf32>
      %mul3A_386 = arith.mulf %get3A_383, %mul3A_385 : vector<16xf32>
      %swap3A_387 = arith.constant 3 : i32
      %swap3A_388 = arith.index_cast %swap3A_387 : i32 to index
      %swap3A_389 = arith.index_cast %scan3A_266 : i32 to index
      %swap3A_390 = arith.constant 112 : index
      %swap3A_391 = tpu.vector_load %arg6[%swap3A_388, %swap3A_389, %swap3A_390] {strides = array<i32>} : memref<4x128x128xf32, #tpu.memory_space<vmem>>, vector<1x1x16xf32>,
      %swap3A_392 = vector.shape_cast %swap3A_391 : vector<1x1x16xf32> to vector<16xf32>
      %swap3A_393 = vector.shape_cast %mul3A_386 : vector<16xf32> to vector<1x1x16xf32>
      tpu.vector_store %arg6[%swap3A_388, %swap3A_389, %swap3A_390], %swap3A_393 {strides = array<i32>} : memref<4x128x128xf32, #tpu.memory_space<vmem>>, vector<1x1x16xf32>,
      %scan3A_394 = arith.constant 0 : i32
      scf.yield %scan3A_394 : i32
    }
    %scan3A_188 = arith.constant 128 : i32
    %add3A_189 = arith.constant 384 : i32
    %add3A_190 = arith.addi %mul3A_32, %add3A_189 : i32
    %dma_start3A_191 = arith.constant 3 : i32
    %dma_start3A_192 = arith.constant 0 : i32
    %dma_start3A_193 = arith.constant 0 : i32
    %dma_start3A_194 = tpu.memref_slice %arg6[%dma_start3A_191, %dma_start3A_192, %dma_start3A_193] : memref<4x128x128xf32, #tpu.memory_space<vmem>> -> memref<1x128x128xf32, #tpu.memory_space<vmem>>
    %dma_start3A_195 = tpu.memref_squeeze %dma_start3A_194 : memref<1x128x128xf32, #tpu.memory_space<vmem>> -> memref<128x128xf32, #tpu.memory_space<vmem>>
    %dma_start3A_196 = arith.constant 0 : i32
    %dma_start3A_197 = tpu.memref_slice %arg4[%select_n3A, %add3A_190, %dma_start3A_196] : memref<4x4096x128xf32, #tpu.memory_space<hbm>> -> memref<1x128x128xf32, #tpu.memory_space<hbm>>
    %dma_start3A_198 = tpu.memref_squeeze %dma_start3A_197 : memref<1x128x128xf32, #tpu.memory_space<hbm>> -> memref<128x128xf32, #tpu.memory_space<hbm>>
    %dma_start3A_199 = arith.constant 0 : i32
    %dma_start3A_200 = tpu.memref_slice %arg4[%select_n3A, %add3A_190, %dma_start3A_199] : memref<4x4096x128xf32, #tpu.memory_space<hbm>> -> memref<1x128x128xf32, #tpu.memory_space<hbm>>
    %dma_start3A_201 = tpu.memref_squeeze %dma_start3A_200 : memref<1x128x128xf32, #tpu.memory_space<hbm>> -> memref<128x128xf32, #tpu.memory_space<hbm>>
    %dma_start3A_202 = arith.constant 0 : i32
    %dma_start3A_203 = arith.constant 0 : i32
    %dma_start3A_204 = tpu.memref_slice %arg6[%dma_start3A_191, %dma_start3A_202, %dma_start3A_203] : memref<4x128x128xf32, #tpu.memory_space<vmem>> -> memref<1x128x128xf32, #tpu.memory_space<vmem>>
    %dma_start3A_205 = tpu.memref_squeeze %dma_start3A_204 : memref<1x128x128xf32, #tpu.memory_space<vmem>> -> memref<128x128xf32, #tpu.memory_space<vmem>>
    tpu.enqueue_dma source(%dma_start3A_205 : memref<128x128xf32, #tpu.memory_space<vmem>>) target(%dma_start3A_201 : memref<128x128xf32, #tpu.memory_space<hbm>>) target_semaphore(%arg8 : memref<!tpu.dma_semaphore, #tpu.memory_space<semaphore_mem>>)
    %dma_wait3A_206 = arith.constant 0 : i32
    %dma_wait3A_207 = arith.constant 0 : i32
    %dma_wait3A_208 = arith.constant 0 : i32
    %dma_wait3A_209 = tpu.memref_slice %arg6[%dma_wait3A_206, %dma_wait3A_207, %dma_wait3A_208] : memref<4x128x128xf32, #tpu.memory_space<vmem>> -> memref<1x128x128xf32, #tpu.memory_space<vmem>>
    %dma_wait3A_210 = tpu.memref_squeeze %dma_wait3A_209 : memref<1x128x128xf32, #tpu.memory_space<vmem>> -> memref<128x128xf32, #tpu.memory_space<vmem>>
    %dma_wait3A_211 = arith.constant 0 : i32
    %dma_wait3A_212 = tpu.memref_slice %arg4[%select_n3A, %add3A_88, %dma_wait3A_211] : memref<4x4096x128xf32, #tpu.memory_space<hbm>> -> memref<1x128x128xf32, #tpu.memory_space<hbm>>
    %dma_wait3A_213 = tpu.memref_squeeze %dma_wait3A_212 : memref<1x128x128xf32, #tpu.memory_space<hbm>> -> memref<128x128xf32, #tpu.memory_space<hbm>>
    %dma_wait3A_214 = arith.constant 0 : i32
    %dma_wait3A_215 = tpu.memref_slice %arg4[%select_n3A, %add3A_88, %dma_wait3A_214] : memref<4x4096x128xf32, #tpu.memory_space<hbm>> -> memref<1x128x128xf32, #tpu.memory_space<hbm>>
    %dma_wait3A_216 = tpu.memref_squeeze %dma_wait3A_215 : memref<1x128x128xf32, #tpu.memory_space<hbm>> -> memref<128x128xf32, #tpu.memory_space<hbm>>
    %dma_wait3A_217 = arith.constant 0 : i32
    %dma_wait3A_218 = arith.constant 0 : i32
    %dma_wait3A_219 = tpu.memref_slice %arg6[%dma_wait3A_206, %dma_wait3A_217, %dma_wait3A_218] : memref<4x128x128xf32, #tpu.memory_space<vmem>> -> memref<1x128x128xf32, #tpu.memory_space<vmem>>
    %dma_wait3A_220 = tpu.memref_squeeze %dma_wait3A_219 : memref<1x128x128xf32, #tpu.memory_space<vmem>> -> memref<128x128xf32, #tpu.memory_space<vmem>>
    tpu.wait_dma2 semaphore(%arg8 : memref<!tpu.dma_semaphore, #tpu.memory_space<semaphore_mem>>) src(%dma_wait3A_220 : memref<128x128xf32, #tpu.memory_space<vmem>>) dst(%dma_wait3A_216 : memref<128x128xf32, #tpu.memory_space<hbm>>)
    %dma_wait3A_221 = arith.constant 1 : i32
    %dma_wait3A_222 = arith.constant 0 : i32
    %dma_wait3A_223 = arith.constant 0 : i32
    %dma_wait3A_224 = tpu.memref_slice %arg6[%dma_wait3A_221, %dma_wait3A_222, %dma_wait3A_223] : memref<4x128x128xf32, #tpu.memory_space<vmem>> -> memref<1x128x128xf32, #tpu.memory_space<vmem>>
    %dma_wait3A_225 = tpu.memref_squeeze %dma_wait3A_224 : memref<1x128x128xf32, #tpu.memory_space<vmem>> -> memref<128x128xf32, #tpu.memory_space<vmem>>
    %dma_wait3A_226 = arith.constant 0 : i32
    %dma_wait3A_227 = tpu.memref_slice %arg4[%select_n3A, %add3A_122, %dma_wait3A_226] : memref<4x4096x128xf32, #tpu.memory_space<hbm>> -> memref<1x128x128xf32, #tpu.memory_space<hbm>>
    %dma_wait3A_228 = tpu.memref_squeeze %dma_wait3A_227 : memref<1x128x128xf32, #tpu.memory_space<hbm>> -> memref<128x128xf32, #tpu.memory_space<hbm>>
    %dma_wait3A_229 = arith.constant 0 : i32
    %dma_wait3A_230 = tpu.memref_slice %arg4[%select_n3A, %add3A_122, %dma_wait3A_229] : memref<4x4096x128xf32, #tpu.memory_space<hbm>> -> memref<1x128x128xf32, #tpu.memory_space<hbm>>
    %dma_wait3A_231 = tpu.memref_squeeze %dma_wait3A_230 : memref<1x128x128xf32, #tpu.memory_space<hbm>> -> memref<128x128xf32, #tpu.memory_space<hbm>>
    %dma_wait3A_232 = arith.constant 0 : i32
    %dma_wait3A_233 = arith.constant 0 : i32
    %dma_wait3A_234 = tpu.memref_slice %arg6[%dma_wait3A_221, %dma_wait3A_232, %dma_wait3A_233] : memref<4x128x128xf32, #tpu.memory_space<vmem>> -> memref<1x128x128xf32, #tpu.memory_space<vmem>>
    %dma_wait3A_235 = tpu.memref_squeeze %dma_wait3A_234 : memref<1x128x128xf32, #tpu.memory_space<vmem>> -> memref<128x128xf32, #tpu.memory_space<vmem>>
    tpu.wait_dma2 semaphore(%arg8 : memref<!tpu.dma_semaphore, #tpu.memory_space<semaphore_mem>>) src(%dma_wait3A_235 : memref<128x128xf32, #tpu.memory_space<vmem>>) dst(%dma_wait3A_231 : memref<128x128xf32, #tpu.memory_space<hbm>>)
    %dma_wait3A_236 = arith.constant 2 : i32
    %dma_wait3A_237 = arith.constant 0 : i32
    %dma_wait3A_238 = arith.constant 0 : i32
    %dma_wait3A_239 = tpu.memref_slice %arg6[%dma_wait3A_236, %dma_wait3A_237, %dma_wait3A_238] : memref<4x128x128xf32, #tpu.memory_space<vmem>> -> memref<1x128x128xf32, #tpu.memory_space<vmem>>
    %dma_wait3A_240 = tpu.memref_squeeze %dma_wait3A_239 : memref<1x128x128xf32, #tpu.memory_space<vmem>> -> memref<128x128xf32, #tpu.memory_space<vmem>>
    %dma_wait3A_241 = arith.constant 0 : i32
    %dma_wait3A_242 = tpu.memref_slice %arg4[%select_n3A, %add3A_156, %dma_wait3A_241] : memref<4x4096x128xf32, #tpu.memory_space<hbm>> -> memref<1x128x128xf32, #tpu.memory_space<hbm>>
    %dma_wait3A_243 = tpu.memref_squeeze %dma_wait3A_242 : memref<1x128x128xf32, #tpu.memory_space<hbm>> -> memref<128x128xf32, #tpu.memory_space<hbm>>
    %dma_wait3A_244 = arith.constant 0 : i32
    %dma_wait3A_245 = tpu.memref_slice %arg4[%select_n3A, %add3A_156, %dma_wait3A_244] : memref<4x4096x128xf32, #tpu.memory_space<hbm>> -> memref<1x128x128xf32, #tpu.memory_space<hbm>>
    %dma_wait3A_246 = tpu.memref_squeeze %dma_wait3A_245 : memref<1x128x128xf32, #tpu.memory_space<hbm>> -> memref<128x128xf32, #tpu.memory_space<hbm>>
    %dma_wait3A_247 = arith.constant 0 : i32
    %dma_wait3A_248 = arith.constant 0 : i32
    %dma_wait3A_249 = tpu.memref_slice %arg6[%dma_wait3A_236, %dma_wait3A_247, %dma_wait3A_248] : memref<4x128x128xf32, #tpu.memory_space<vmem>> -> memref<1x128x128xf32, #tpu.memory_space<vmem>>
    %dma_wait3A_250 = tpu.memref_squeeze %dma_wait3A_249 : memref<1x128x128xf32, #tpu.memory_space<vmem>> -> memref<128x128xf32, #tpu.memory_space<vmem>>
    tpu.wait_dma2 semaphore(%arg8 : memref<!tpu.dma_semaphore, #tpu.memory_space<semaphore_mem>>) src(%dma_wait3A_250 : memref<128x128xf32, #tpu.memory_space<vmem>>) dst(%dma_wait3A_246 : memref<128x128xf32, #tpu.memory_space<hbm>>)
    %dma_wait3A_251 = arith.constant 3 : i32
    %dma_wait3A_252 = arith.constant 0 : i32
    %dma_wait3A_253 = arith.constant 0 : i32
    %dma_wait3A_254 = tpu.memref_slice %arg6[%dma_wait3A_251, %dma_wait3A_252, %dma_wait3A_253] : memref<4x128x128xf32, #tpu.memory_space<vmem>> -> memref<1x128x128xf32, #tpu.memory_space<vmem>>
    %dma_wait3A_255 = tpu.memref_squeeze %dma_wait3A_254 : memref<1x128x128xf32, #tpu.memory_space<vmem>> -> memref<128x128xf32, #tpu.memory_space<vmem>>
    %dma_wait3A_256 = arith.constant 0 : i32
    %dma_wait3A_257 = tpu.memref_slice %arg4[%select_n3A, %add3A_190, %dma_wait3A_256] : memref<4x4096x128xf32, #tpu.memory_space<hbm>> -> memref<1x128x128xf32, #tpu.memory_space<hbm>>
    %dma_wait3A_258 = tpu.memref_squeeze %dma_wait3A_257 : memref<1x128x128xf32, #tpu.memory_space<hbm>> -> memref<128x128xf32, #tpu.memory_space<hbm>>
    %dma_wait3A_259 = arith.constant 0 : i32
    %dma_wait3A_260 = tpu.memref_slice %arg4[%select_n3A, %add3A_190, %dma_wait3A_259] : memref<4x4096x128xf32, #tpu.memory_space<hbm>> -> memref<1x128x128xf32, #tpu.memory_space<hbm>>
    %dma_wait3A_261 = tpu.memref_squeeze %dma_wait3A_260 : memref<1x128x128xf32, #tpu.memory_space<hbm>> -> memref<128x128xf32, #tpu.memory_space<hbm>>
    %dma_wait3A_262 = arith.constant 0 : i32
    %dma_wait3A_263 = arith.constant 0 : i32
    %dma_wait3A_264 = tpu.memref_slice %arg6[%dma_wait3A_251, %dma_wait3A_262, %dma_wait3A_263] : memref<4x128x128xf32, #tpu.memory_space<vmem>> -> memref<1x128x128xf32, #tpu.memory_space<vmem>>
    %dma_wait3A_265 = tpu.memref_squeeze %dma_wait3A_264 : memref<1x128x128xf32, #tpu.memory_space<vmem>> -> memref<128x128xf32, #tpu.memory_space<vmem>>
    tpu.wait_dma2 semaphore(%arg8 : memref<!tpu.dma_semaphore, #tpu.memory_space<semaphore_mem>>) src(%dma_wait3A_265 : memref<128x128xf32, #tpu.memory_space<vmem>>) dst(%dma_wait3A_261 : memref<128x128xf32, #tpu.memory_space<hbm>>)
    return
  }
}

</mosaic_0001>

<sc_bundles>
// kernel: kernel.3.cloned.1.call-start
scs
__scs_entry_jumppad:
0x0: {  	(pc) =	sbr.rel $0x88, $3  }
0x1: {  	(tag) =	ssettag $0x0;
	lr =	simm.s32 $0x1  }
0x2: {  	[smem:$0x3F9F] =	sst lr;
	_ =	strace $0xD0000000  }
0x3: {  	_ = 	snop  }
0x4: {  	_ = 	snop  }
0x5: {  	_ = 	snop  }
0x6: {  	_ = 	snop  }
0x7: {  	_ = 	snop  }
__scs_overlays_trampoline_lowered:
0x8: {  	[smem:$0x3FAE] =	sst s0  }
0x9: {  	[smem:$0x3FAF] =	sst s1  }
0xa: {  	[smem:$0x3FB0] =	sst s2  }
0xb: {  	[smem:$0x3FB1] =	sst s3  }
0xc: {  	[smem:$0x3FB2] =	sst s4  }
0xd: {  	[smem:$0x3FB3] =	sst s5  }
0xe: {  	[smem:$0x3FB4] =	sst s6  }
0xf: {  	[smem:$0x3FB5] =	sst s7  }
0x10: {  	[smem:$0x3FB6] =	sst s8  }
0x11: {  	[smem:$0x3FB7] =	sst s9;
	s0 =	simm.s32 @!p0 $0x0  }
0x12: {  	s1 =	sld [smem:$0x3F9D];
	s0 =	simm.s32 @p0 $0x1  }
0x13: {  	[smem:$0x3FB8] =	sst s0;
	s0 =	simm.s32 @!p1 $0x0  }
0x14: {  	s2 =	sld [smem:$0x3F9C];
	s0 =	simm.s32 @p1 $0x1  }
0x15: {  	[smem:$0x3FB9] =	sst s0;
	s0 =	simm.s32 @!p2 $0x0  }
0x16: {  	s3 =	sld [smem:$0x3FDB];
	s0 =	simm.s32 @p2 $0x1  }
0x17: {  	s4 =	simm.s32 $0x1BF5;
	[smem:$0x3FBB] =	sst s0  }
0x18: {  	s0 =	sld [smem:$0x3F9E];
	_ =	swait.ge [sflag:s4], $0x0  }
0x19: {  	s7 =	sld [smem:$0x3F9F]  }
0x1a: {  	s8 =	sadd.s32 $0xFFFFE003, lr  }
0x1b: {  	s9 =	sadd.s32 $0xFFFFFEF7, lr;
	s5 =	simm.s32 $0xFFFFFFFF;
	p2 =	slt.u32 s8, $0xFFFFF086  }
0x1c: {  	p1 =	slt.u32 s9, $0xF7A;
	s5 =	simm.s32 @!p2 $0x0  }
0x1d: {  	s5 =	simm.s32 @p1 $0x1;
	p0 =	seq.s32 s7, s2  }
0x1e: {  	s7 =	smul.u32 @!p0 $0xF7A, s2;
	p2 =	seq.s32 @!p0 s5, $0x0  }
0x1f: {  	s9 =	smul.u32 $0xF7A, s1;
	s8 =	simm.s32 @!p0 $0x1BF5;
	p2 =	por !p2, p0  }
0x20: {  	[sflag:s8] =	ssyncset.s32 @!p0 $0xFFFFF086;
	s6 =	sadd.s32 @!p0 s3, s7;
	s7 =	simm.s32 @!p0 $0x108  }
0x21: {  	s3 =	sadd.s32 s3, s9;
	s6 =	sadd.s32 @!p0 $0x88, s6;
	s7 =	simm.s32 @p2 $0x1082  }
0x22: {  	[simem:s7], [sflag:s8] =	dma.local @!p0 [hbm:s6], $0xF7A  }
0x23: {  	s9 =	sor.u32 $0xD0000000, s2;
	s6 =	simm.s32 $0x108;
	_ =	swait.ge @!p0 [sflag:s8], $0x0  }
0x24: {  	s3 =	sadd.s32 $0x88, s3;
	s6 =	simm.s32 @!p1 $0x1082;
	[sflag:s4] =	ssyncset.s32 $0xFFFFF086  }
0x25: {  	[simem:s6], [sflag:s4] =	dma.local [hbm:s3], $0xF7A  }
0x26: {  	[smem:$0x3F9F] =	sst s1;
	(tag) =	ssettag s2;
	_ =	strace s9  }
0x27: {  	s1 =	sld [smem:$0x3FAF]  }
0x28: {  	s2 =	sld [smem:$0x3FB0]  }
0x29: {  	s4 =	sld [smem:$0x3FB2]  }
0x2a: {  	p0 =	seq.s32 s5, $0x0;
	s5 =	sld [smem:$0x3FB3]  }
0x2b: {  	s6 =	sld [smem:$0x3FB4]  }
0x2c: {  	s7 =	sld [smem:$0x3FB5]  }
0x2d: {  	s3 =	simm.s32 $0x108;
	s8 =	sld [smem:$0x3FB6]  }
0x2e: {  	s3 =	simm.s32 @!p0 $0x1082;
	s9 =	sld [smem:$0x3FB7]  }
0x2f: {  	lr =	sadd.s32 s0, s3;
	s0 =	sld [smem:$0x3FAE]  }
0x30: {  	s3 =	sld [smem:$0x3FB1]  }
0x31: {  	[smem:$0x3FBA] =	sst s10  }
0x32: {  	s10 =	sld [smem:$0x3FB8];
	_ =	sdelay $0x3  }
0x33: {  	p0 =	seq.s32 s10, $0x1;
	s10 =	sld [smem:$0x3FBA];
	_ =	sdelay $0x3  }
0x34: {  	[smem:$0x3FBA] =	sst s10  }
0x35: {  	s10 =	sld [smem:$0x3FB9];
	_ =	sdelay $0x3  }
0x36: {  	p1 =	seq.s32 s10, $0x1;
	s10 =	sld [smem:$0x3FBA];
	_ =	sdelay $0x3  }
0x37: {  	[smem:$0x3FBA] =	sst s10  }
0x38: {  	s10 =	sld [smem:$0x3FBB]  }
0x39: {  	_ = 	snop;
	(pc) =	sbr.ind lr, $3  }
0x3a: {  	_ = 	snop  }
0x3b: {  	_ = 	snop  }
0x3c: {  	p2 =	seq.s32 s10, $0x1;
	s10 =	sld [smem:$0x3FBA]  }
0x3d: {  	_ =	shalt  }
0x3e: {  	_ =	shalt  }
0x3f: {  	_ =	shalt  }
0x40: {  	_ =	shalt  }
0x41: {  	_ =	shalt  }
0x42: {  	_ =	shalt  }
0x43: {  	_ =	shalt  }
0x44: {  	_ =	shalt  }
0x45: {  	_ =	shalt  }
0x46: {  	_ =	shalt  }
0x47: {  	_ =	shalt  }
0x48: {  	_ =	shalt  }
0x49: {  	_ =	shalt  }
0x4a: {  	_ =	shalt  }
0x4b: {  	_ =	shalt  }
0x4c: {  	_ =	shalt  }
0x4d: {  	_ =	shalt  }
0x4e: {  	_ =	shalt  }
0x4f: {  	_ =	shalt  }
0x50: {  	_ =	shalt  }
0x51: {  	_ =	shalt  }
0x52: {  	_ =	shalt  }
0x53: {  	_ =	shalt  }
0x54: {  	_ =	shalt  }
0x55: {  	_ =	shalt  }
0x56: {  	_ =	shalt  }
0x57: {  	_ =	shalt  }
0x58: {  	_ =	shalt  }
0x59: {  	_ =	shalt  }
0x5a: {  	_ =	shalt  }
0x5b: {  	_ =	shalt  }
0x5c: {  	_ =	shalt  }
0x5d: {  	_ =	shalt  }
0x5e: {  	_ =	shalt  }
0x5f: {  	_ =	shalt  }
0x60: {  	_ =	shalt  }
0x61: {  	_ =	shalt  }
0x62: {  	_ =	shalt  }
0x63: {  	_ =	shalt  }
0x64: {  	_ =	shalt  }
0x65: {  	_ =	shalt  }
0x66: {  	_ =	shalt  }
0x67: {  	_ =	shalt  }
0x68: {  	_ =	shalt  }
0x69: {  	_ =	shalt  }
0x6a: {  	_ =	shalt  }
0x6b: {  	_ =	shalt  }
0x6c: {  	_ =	shalt  }
0x6d: {  	_ =	shalt  }
0x6e: {  	_ =	shalt  }
0x6f: {  	_ =	shalt  }
0x70: {  	_ =	shalt  }
0x71: {  	_ =	shalt  }
0x72: {  	_ =	shalt  }
0x73: {  	_ =	shalt  }
0x74: {  	_ =	shalt  }
0x75: {  	_ =	shalt  }
0x76: {  	_ =	shalt  }
0x77: {  	_ =	shalt  }
0x78: {  	_ =	shalt  }
0x79: {  	_ =	shalt  }
0x7a: {  	_ =	shalt  }
0x7b: {  	_ =	shalt  }
0x7c: {  	_ =	shalt  }
0x7d: {  	_ =	shalt  }
0x7e: {  	_ =	shalt  }
0x7f: {  	_ =	shalt  }
0x80: {  	_ =	shalt  }
0x81: {  	_ =	shalt  }
0x82: {  	_ =	shalt  }
0x83: {  	_ =	shalt  }
0x84: {  	_ =	shalt  }
0x85: {  	_ =	shalt  }
0x86: {  	_ =	shalt  }
0x87: {  	_ =	shalt  }
.Lfunc_end0:
.L_simem_size_0:
called_computation_lowered:
.L_overlay_start_0:
0x88: {  	s2 =	sld [smem:$0x3FD9]  }
0x89: {  	s3 =	sld [smem:$0x3FFE];
	_ =	sdelay $0x1  }
0x8a: {  	s1 =	srdreg.scid  }
0x8b: {  	s0 =	sand.u32 $0x1, s1  }
0x8c: {  	s18 =	sshll.u32 s0, $0xA;
	s2 =	sadd.s32 s3, s2  }
0x8d: {  	s2 =	sadd.s32 s2, s18  }
0x8e: {  	[smem:$0x3FC6] =	sst s2  }
0x8f: {  	_ = 	snop  }
0x90: {  	s2 =	sld [smem:$0x3FC9]  }
0x91: {  	s19 =	sld [smem:$0x3FC8]  }
0x92: {  	s4 =	sld [smem:$0x3FD0];
	(tm) =	ssettm $0x1  }
0x93: {  	s5 =	sld [smem:$0x3FFB];
	_ =	sdelay $0x3  }
0x94: {  	_ =	strace s5  }
0x95: {  	s5 =	sld [smem:$0x3FFC];
	_ =	sdelay $0x3  }
0x96: {  	_ =	strace s5  }
0x97: {  	s5 =	sld [smem:$0x3FFD];
	_ =	sdelay $0x3  }
0x98: {  	_ =	strace s5  }
0x99: {  	_ =	strace $0x8FFFFFFF  }
0x9a: {  	s20 =	sld [smem:$0x3FDB];
	_ =	sdelay $0x1  }
0x9b: {  	s6 =	simm.s32 $_scs_section_size  }
0x9c: {  	s7 =	simm.s32 $_size__tile_overlayer_lowered;
	s8 =	simm.s32 $_tile_overlayer_lowered  }
0x9d: {  	s23 =	simm.s32 $0x1BFF;
	s22 =	sshll.u32 s8, $0x1;
	s5 =	sadd.s32 s6, s20  }
0x9e: {  	s9 =	simm.s32 $0x0;
	s21 =	sshll.u32 s7, $0x1;
	s7 =	sadd.s32 s22, s5  }
0x9f: {  	[timem:s9], [sflag:s23] =	dma.local [hbm:s7], s21  }
0xa0: {  	_ =	swait.ge [sflag:s23], s21  }
0xa1: {  	s6 =	ssub.s32 $0x0, s21;
	[sflag:s23] =	ssyncset.done $0x0  }
0xa2: {  	[sflag:s23] =	ssyncadd.s32 s6;
	_ =	sdelay $0x1  }
0xa3: {  	s24 =	simm.s32 $0x1B8B  }
0xa4: {  	_ =	swait.ge [sflag:s24], $0x1  }
0xa5: {  	[sflag:s24] =	ssyncset.done $0x0  }
0xa6: {  	s25 =	simm.s32 $0x1B8E;
	[sflag:s24] =	ssyncadd.s32 $0xFFFFFFFF  }
0xa7: {  	s26 =	simm.s32 $execute0_lowered;
	[smem:$0x3FD2] =	sst s25  }
0xa8: {  	s6 =	sshll.u32 s26, $0x1;
	_ =	strace $0x80000046;
	[dreg:$0x1] =	wrdreg $0xFFFFFFFF  }
0xa9: {  	s28 =	simm.s32 $_size_execute0_lowered;
	s5 =	sadd.s32 s5, s6;
	[dreg:$0x0] =	wrdreg $0x0  }
0xaa: {  	s6 =	sshll.u32 s28, $0x1;
	[dreg:$0x2] =	wrdreg s5  }
0xab: {  	[dreg:$0x3] =	wrdreg s6  }
0xac: {  	[dreg:$0x4] =	wrdreg $0xC0  }
0xad: {  	_ =	task [dreg:s9], $0x5FFFF  }
0xae: {  	[dreg:$0x1] =	wrdreg $0xFFFFFFFF  }
0xaf: {  	[dreg:$0x0] =	wrdreg $0x60  }
0xb0: {  	[dreg:$0x2] =	wrdreg s19  }
0xb1: {  	[dreg:$0x3] =	wrdreg s2  }
0xb2: {  	[dreg:$0x4] =	wrdreg s4  }
0xb3: {  	[dreg:$0x5] =	wrdreg $0x9  }
0xb4: {  	_ =	task.clear_ibuf [dreg:s9], $0x6FFFF;
	_ =	strace $0x90000046  }
0xb5: {  	s29 =	simm.s32 $0x9;
	_ =	strace $0x80000048  }
0xb6: {  	_ =	swait.ge [sflag:s29], $0x1  }
0xb7: {  	[sflag:s29] =	ssyncadd.s32 $0xFFFFFFFF  }
0xb8: {  	_ =	strace $0x90000048  }
0xb9: {  	_ =	sfence  }
0xba: {  	s30 =	sld [smem:$0x0];
	_ =	sdelay $0x2  }
0xbb: {  	s31 =	sshll.u32 s1, $0xD;
	s1 =	sshrl.u32 s1, $0x2  }
0xbc: {  	s3 =	sand.u32 $0x4000, s31;
	s1 =	sadd.s32 s1, s30  }
0xbd: {  	s0 =	sor.u32 s3, s0;
	s1 =	sshll.u32 s1, $0x11  }
0xbe: {  	s0 =	sor.u32 s1, s0  }
0xbf: {  	s0 =	sadd.s32 $0x8F2B, s0  }
0xc0: {  	[sflag:s0] =	ssyncadd.remote.s32 $0x1  }
0xc1: {  	_ =	sfence.sel $0xFFFF  }
0xc2: {  	[dreg:$0x0] =	wrdreg $0xFFFFFFFF;
	(pc) =	sbr.abs _section_cstart, $3  }
0xc3: {  	[dreg:$0x1] =	wrdreg $0xFFFFFFFF  }
0xc4: {  	_ =	task.clear_ibuf [dreg:s9], $0x2FFFF;
	_ =	strace $0x9FFFFFFF  }
0xc5: {  	(tm) =	ssettm $0x7FFFFFFF  }
tec
execute0_lowered:
.L_overlay_start_1:
0x0: {  	(tag) =	ssettag $0x1  }
0x1: {  	s1 =	rddreg [dreg:$0x0]  }
0x2: {  	s7 =	rddreg [dreg:$0x1]  }
0x3: {  	s0 =	srdreg.scid;
	s8 =	rddreg [dreg:$0x2];
	s9 =	simm.s32 $0x1  }
0x4: {  	s3 =	simm.s32 $0x0;
	s13 =	simm.s32 $0x3;
	s14 =	simm.s32 $0x4200  }
0x5: {  	s15 =	simm.s32 $0x100;
	s16 =	simm.s32 $0x8200;
	s17 =	simm.s32 $0x180  }
0x6: {  	s18 =	simm.s32 $0xC200;
	s19 =	simm.s32 $0x2;
	s4 =	sand.u32 $0x1, s0  }
0x7: {  	s20 =	simm.s32 $0x0;
	s0 =	stileid.u32;
	s2 =	sshll.u32 s4, $0x4  }
0x8: {  	[smem:$0x7FF] =	sst s3;
	s6 =	sand.u32 $0x7, s0;
	s5 =	sor.u32 s0, s2  }
0x9: {  	s4 =	ssub.s32 $0x2, s4;
	p1 =	sne.s32 s6, $0x0;
	p0 =	seq.s32 s5, $0x0  }
0xa: {  	s2 =	rddreg [dreg:$0x3];
	_ =	strace $0x80000047;
	p0 =	por !p1, !p0  }
0xb: {  	s10 =	sshrl.u32 s4, $0x1;
	s11 =	sshll.u32 s6, $0x10;
	p0 =	por !p0, !p0  }
0xc: {  	s6 =	sshll.u32 s6, $0xB;
	s5 =	sshrl.u32 s5, $0x3;
	s9 =	simm.s32 @!p0 $0x0  }
0xd: {  	s10 =	ssub.s32 s4, s10;
	s4 =	simm.s32 $0x1;
	s5 =	ssub.s32 s5, s9  }
0xe: {  	s9 =	sshll.u32 s5, $0xC;
	s12 =	sshll.u32 s5, $0x7;
	s5 =	sshll.u32 s5, $0x13  }
0xf: {  	s10 =	smax.u32 s10, $0x1;
	s9 =	sand.u32 $0xFFFFC000, s9;
	s5 =	sor.u32 s11, s5  }
0x10: {  	s31 =	sand.u32 $0x180, s12;
	s6 =	sor.u32 s6, s9;
	s5 =	sshrl.u32 s5, $0x3  }
0x11: {  	s11 =	simm.s32 $0x80;
	s6 =	sor.u32 s31, s6;
	s5 =	sadd.s32 s8, s5  }
0x12: {  	s12 =	simm.s32 $0x200;
	s6 =	sshrl.u32 s6, $0x3;
	s8 =	sadd.s32 $0x1000, s5  }
0x13: {  	s9 =	sadd.s32 $0x1800, s5;
	s6 =	sadd.s32 s7, s6;
	s7 =	sadd.s32 $0x800, s5  }
.LBB2_1:
0x14: {  	[tilespmem:s3], [sflag:$0x3] =	stream.strided.gather [hbm4b:s6+s11], $0x200, s12, s11, $0x38;
	[tilespmem:$0x10200] =	vst v63  }
0x15: {  	_ =	swait.ge [sflag:s13], $0x200  }
0x16: {  	[sflag:s13] =	ssyncset.done $0x0  }
0x17: {  	[sflag:s13] =	ssyncadd.s32 $0xFFFFFE00  }
0x18: {  	[tilespmem:s12], [sflag:$0x1] =	stream.indirect.gather [hbm4b:s1+s11], $0x80, s3, s11, $0xb8;
	[tilespmem:$0x10200] =	vst v63  }
0x19: {  	_ = 	snop  }
0x1a: {  	[tilespmem:s14], [sflag:$0x1] =	stream.indirect.gather [hbm4b:s1+s11], $0x80, s11, s11, $0xb8;
	[tilespmem:$0x10200] =	vst v63  }
0x1b: {  	_ = 	snop  }
0x1c: {  	[tilespmem:s16], [sflag:$0x1] =	stream.indirect.gather [hbm4b:s1+s11], $0x80, s15, s11, $0xb8;
	[tilespmem:$0x10200] =	vst v63  }
0x1d: {  	_ = 	snop  }
0x1e: {  	[tilespmem:s18], [sflag:$0x1] =	stream.indirect.gather [hbm4b:s1+s11], $0x80, s17, s11, $0xb8;
	[tilespmem:$0x10200] =	vst v63  }
0x1f: {  	_ =	swait.ge [sflag:s4], $0x4000  }
0x20: {  	[sflag:s4] =	ssyncset.done $0x0  }
0x21: {  	s21 =	simm.s32 $0x0;
	[sflag:s4] =	ssyncadd.s32 $0xFFFFC000  }
0x22: {  	v3 =	vld [tilespmem:s21+$0x200]  }
0x23: {  	v5 =	vld [tilespmem:s21+$0x210]  }
0x24: {  	v4 =	vld [tilespmem:s21+$0x220]  }
0x25: {  	v2 =	vld [tilespmem:s21+$0x230]  }
0x26: {  	v0 =	vld [tilespmem:s21+$0x240]  }
0x27: {  	v1 =	vld [tilespmem:s21+$0x250];
	v6 =	vmul.f32 $1.131370830e+01, v3  }
0x28: {  	s22 =	simm.s32 $0x200;
	v5 =	vmul.f32 $1.131370830e+01, v5;
	v3 =	vld [tilespmem:s21+$0x260]  }
.LBB2_2:
0x29: {  	s23 =	sshra.s32 s22, $0x2;
	p0 =	sne.s32 s22, $0xFE00;
	[tilespmem:s21+$0x200] =	vst v6;
	v4 =	vmul.f32 $1.131370830e+01, v4;
	v6 =	vld [tilespmem:s21+$0x270]  }
0x2a: {  	v7 =	vld [tilespmem:s23+$0x200];
	[tilespmem:s21+$0x210] =	vst v5;
	v2 =	vmul.f32 $1.131370830e+01, v2  }
0x2b: {  	v5 =	vld [tilespmem:s23+$0x210];
	[tilespmem:s21+$0x220] =	vst v4;
	v0 =	vmul.f32 $1.131370830e+01, v0  }
.Ltmp0:
0x2c: {  	v4 =	vld [tilespmem:s23+$0x220];
	[tilespmem:s21+$0x230] =	vst v2;
	v1 =	vmul.f32 $1.131370830e+01, v1;
	(pc) =	sbr.rel @p0 .LBB2_2-.Ltmp0, $4  }
0x2d: {  	v2 =	vld [tilespmem:s23+$0x230];
	[tilespmem:s21+$0x240] =	vst v0;
	v3 =	vmul.f32 $1.131370830e+01, v3  }
0x2e: {  	v0 =	vld [tilespmem:s23+$0x240];
	[tilespmem:s21+$0x250] =	vst v1;
	v8 =	vmul.f32 $1.131370830e+01, v6  }
0x2f: {  	v6 =	vmul.f32 $1.131370830e+01, v7;
	v1 =	vld [tilespmem:s23+$0x250];
	[tilespmem:s21+$0x260] =	vst v3  }
0x30: {  	s22 =	sadd.s32 $0x200, s22;
	v5 =	vmul.f32 $1.131370830e+01, v5;
	v3 =	vld [tilespmem:s23+$0x260];
	[tilespmem:s21+$0x270] =	vst v8;
	s21 =	smov.u32 s23  }
0x31: {  	[tilespmem:s21+$0x200] =	vst v6;
	v4 =	vmul.f32 $1.131370830e+01, v4;
	v6 =	vld [tilespmem:s21+$0x270]  }
0x32: {  	[tilespmem:s21+$0x210] =	vst v5;
	v2 =	vmul.f32 $1.131370830e+01, v2  }
0x33: {  	[tilespmem:s21+$0x220] =	vst v4;
	v0 =	vmul.f32 $1.131370830e+01, v0  }
0x34: {  	[tilespmem:s21+$0x230] =	vst v2;
	v1 =	vmul.f32 $1.131370830e+01, v1  }
0x35: {  	[tilespmem:s21+$0x240] =	vst v0;
	v0 =	vmul.f32 $1.131370830e+01, v3  }
0x36: {  	[tilespmem:s21+$0x250] =	vst v1;
	v1 =	vmul.f32 $1.131370830e+01, v6  }
0x37: {  	[tilespmem:s21+$0x260] =	vst v0  }
0x38: {  	s31 =	simm.s32 $0x0;
	[tilespmem:s21+$0x270] =	vst v1  }
0x39: {  	[hbm4b:s5+s31] =	stream.linear.scatter [tilespmem:s12], [sflag:$0x2], $0x4000, $0x38;
	[tilespmem:$0x10200] =	vst v63  }
0x3a: {  	_ =	swait.ge [sflag:s4], $0x4000  }
0x3b: {  	[sflag:s4] =	ssyncset.done $0x0  }
0x3c: {  	s21 =	simm.s32 $0x0;
	[sflag:s4] =	ssyncadd.s32 $0xFFFFC000  }
0x3d: {  	v3 =	vld [tilespmem:s21+$0x4200]  }
0x3e: {  	v5 =	vld [tilespmem:s21+$0x4210]  }
0x3f: {  	v4 =	vld [tilespmem:s21+$0x4220]  }
0x40: {  	v2 =	vld [tilespmem:s21+$0x4230]  }
0x41: {  	v0 =	vld [tilespmem:s21+$0x4240]  }
0x42: {  	v1 =	vld [tilespmem:s21+$0x4250];
	v6 =	vmul.f32 $1.131370830e+01, v3  }
0x43: {  	s22 =	simm.s32 $0x200;
	v5 =	vmul.f32 $1.131370830e+01, v5;
	v3 =	vld [tilespmem:s21+$0x4260]  }
.LBB2_4:
0x44: {  	s23 =	sshra.s32 s22, $0x2;
	p0 =	sne.s32 s22, $0xFE00;
	[tilespmem:s21+$0x4200] =	vst v6;
	v4 =	vmul.f32 $1.131370830e+01, v4;
	v6 =	vld [tilespmem:s21+$0x4270]  }
0x45: {  	v7 =	vld [tilespmem:s23+$0x4200];
	[tilespmem:s21+$0x4210] =	vst v5;
	v2 =	vmul.f32 $1.131370830e+01, v2  }
0x46: {  	v5 =	vld [tilespmem:s23+$0x4210];
	[tilespmem:s21+$0x4220] =	vst v4;
	v0 =	vmul.f32 $1.131370830e+01, v0  }
.Ltmp1:
0x47: {  	v4 =	vld [tilespmem:s23+$0x4220];
	[tilespmem:s21+$0x4230] =	vst v2;
	v1 =	vmul.f32 $1.131370830e+01, v1;
	(pc) =	sbr.rel @p0 .LBB2_4-.Ltmp1, $4  }
0x48: {  	v2 =	vld [tilespmem:s23+$0x4230];
	[tilespmem:s21+$0x4240] =	vst v0;
	v3 =	vmul.f32 $1.131370830e+01, v3  }
0x49: {  	v0 =	vld [tilespmem:s23+$0x4240];
	[tilespmem:s21+$0x4250] =	vst v1;
	v8 =	vmul.f32 $1.131370830e+01, v6  }
0x4a: {  	v6 =	vmul.f32 $1.131370830e+01, v7;
	v1 =	vld [tilespmem:s23+$0x4250];
	[tilespmem:s21+$0x4260] =	vst v3  }
0x4b: {  	s22 =	sadd.s32 $0x200, s22;
	v5 =	vmul.f32 $1.131370830e+01, v5;
	v3 =	vld [tilespmem:s23+$0x4260];
	[tilespmem:s21+$0x4270] =	vst v8;
	s21 =	smov.u32 s23  }
0x4c: {  	[tilespmem:s21+$0x4200] =	vst v6;
	v4 =	vmul.f32 $1.131370830e+01, v4;
	v6 =	vld [tilespmem:s21+$0x4270]  }
0x4d: {  	[tilespmem:s21+$0x4210] =	vst v5;
	v2 =	vmul.f32 $1.131370830e+01, v2  }
0x4e: {  	[tilespmem:s21+$0x4220] =	vst v4;
	v0 =	vmul.f32 $1.131370830e+01, v0  }
0x4f: {  	[tilespmem:s21+$0x4230] =	vst v2;
	v1 =	vmul.f32 $1.131370830e+01, v1  }
0x50: {  	[tilespmem:s21+$0x4240] =	vst v0;
	v0 =	vmul.f32 $1.131370830e+01, v3  }
0x51: {  	[tilespmem:s21+$0x4250] =	vst v1;
	v1 =	vmul.f32 $1.131370830e+01, v6  }
0x52: {  	[tilespmem:s21+$0x4260] =	vst v0  }
0x53: {  	s31 =	simm.s32 $0x0;
	[tilespmem:s21+$0x4270] =	vst v1  }
0x54: {  	[hbm4b:s7+s31] =	stream.linear.scatter [tilespmem:s14], [sflag:$0x2], $0x4000, $0x38;
	[tilespmem:$0x10200] =	vst v63  }
0x55: {  	_ =	swait.ge [sflag:s4], $0x4000  }
0x56: {  	[sflag:s4] =	ssyncset.done $0x0  }
0x57: {  	s21 =	simm.s32 $0x0;
	[sflag:s4] =	ssyncadd.s32 $0xFFFFC000  }
0x58: {  	v3 =	vld [tilespmem:s21+$0x8200]  }
0x59: {  	v5 =	vld [tilespmem:s21+$0x8210]  }
0x5a: {  	v4 =	vld [tilespmem:s21+$0x8220]  }
0x5b: {  	v2 =	vld [tilespmem:s21+$0x8230]  }
0x5c: {  	v0 =	vld [tilespmem:s21+$0x8240]  }
0x5d: {  	v1 =	vld [tilespmem:s21+$0x8250];
	v6 =	vmul.f32 $1.131370830e+01, v3  }
0x5e: {  	s22 =	simm.s32 $0x200;
	v5 =	vmul.f32 $1.131370830e+01, v5;
	v3 =	vld [tilespmem:s21+$0x8260]  }
.LBB2_6:
0x5f: {  	s23 =	sshra.s32 s22, $0x2;
	p0 =	sne.s32 s22, $0xFE00;
	[tilespmem:s21+$0x8200] =	vst v6;
	v4 =	vmul.f32 $1.131370830e+01, v4;
	v6 =	vld [tilespmem:s21+$0x8270]  }
0x60: {  	v7 =	vld [tilespmem:s23+$0x8200];
	[tilespmem:s21+$0x8210] =	vst v5;
	v2 =	vmul.f32 $1.131370830e+01, v2  }
0x61: {  	v5 =	vld [tilespmem:s23+$0x8210];
	[tilespmem:s21+$0x8220] =	vst v4;
	v0 =	vmul.f32 $1.131370830e+01, v0  }
.Ltmp2:
0x62: {  	v4 =	vld [tilespmem:s23+$0x8220];
	[tilespmem:s21+$0x8230] =	vst v2;
	v1 =	vmul.f32 $1.131370830e+01, v1;
	(pc) =	sbr.rel @p0 .LBB2_6-.Ltmp2, $4  }
0x63: {  	v2 =	vld [tilespmem:s23+$0x8230];
	[tilespmem:s21+$0x8240] =	vst v0;
	v3 =	vmul.f32 $1.131370830e+01, v3  }
0x64: {  	v0 =	vld [tilespmem:s23+$0x8240];
	[tilespmem:s21+$0x8250] =	vst v1;
	v8 =	vmul.f32 $1.131370830e+01, v6  }
0x65: {  	v6 =	vmul.f32 $1.131370830e+01, v7;
	v1 =	vld [tilespmem:s23+$0x8250];
	[tilespmem:s21+$0x8260] =	vst v3  }
0x66: {  	s22 =	sadd.s32 $0x200, s22;
	v5 =	vmul.f32 $1.131370830e+01, v5;
	v3 =	vld [tilespmem:s23+$0x8260];
	[tilespmem:s21+$0x8270] =	vst v8;
	s21 =	smov.u32 s23  }
0x67: {  	[tilespmem:s21+$0x8200] =	vst v6;
	v4 =	vmul.f32 $1.131370830e+01, v4;
	v6 =	vld [tilespmem:s21+$0x8270]  }
0x68: {  	[tilespmem:s21+$0x8210] =	vst v5;
	v2 =	vmul.f32 $1.131370830e+01, v2  }
0x69: {  	[tilespmem:s21+$0x8220] =	vst v4;
	v0 =	vmul.f32 $1.131370830e+01, v0  }
0x6a: {  	[tilespmem:s21+$0x8230] =	vst v2;
	v1 =	vmul.f32 $1.131370830e+01, v1  }
0x6b: {  	[tilespmem:s21+$0x8240] =	vst v0;
	v0 =	vmul.f32 $1.131370830e+01, v3  }
0x6c: {  	[tilespmem:s21+$0x8250] =	vst v1;
	v1 =	vmul.f32 $1.131370830e+01, v6  }
0x6d: {  	[tilespmem:s21+$0x8260] =	vst v0  }
0x6e: {  	s31 =	simm.s32 $0x0;
	[tilespmem:s21+$0x8270] =	vst v1  }
0x6f: {  	[hbm4b:s8+s31] =	stream.linear.scatter [tilespmem:s16], [sflag:$0x2], $0x4000, $0x38;
	[tilespmem:$0x10200] =	vst v63  }
0x70: {  	_ =	swait.ge [sflag:s4], $0x4000  }
0x71: {  	[sflag:s4] =	ssyncset.done $0x0  }
0x72: {  	s21 =	simm.s32 $0x0;
	[sflag:s4] =	ssyncadd.s32 $0xFFFFC000  }
0x73: {  	v3 =	vld [tilespmem:s21+$0xC200]  }
0x74: {  	v5 =	vld [tilespmem:s21+$0xC210]  }
0x75: {  	v4 =	vld [tilespmem:s21+$0xC220]  }
0x76: {  	v2 =	vld [tilespmem:s21+$0xC230]  }
0x77: {  	v0 =	vld [tilespmem:s21+$0xC240]  }
0x78: {  	v1 =	vld [tilespmem:s21+$0xC250];
	v6 =	vmul.f32 $1.131370830e+01, v3  }
0x79: {  	s22 =	simm.s32 $0x200;
	v5 =	vmul.f32 $1.131370830e+01, v5;
	v3 =	vld [tilespmem:s21+$0xC260]  }
.LBB2_8:
0x7a: {  	s23 =	sshra.s32 s22, $0x2;
	p0 =	sne.s32 s22, $0xFE00;
	[tilespmem:s21+$0xC200] =	vst v6;
	v4 =	vmul.f32 $1.131370830e+01, v4;
	v6 =	vld [tilespmem:s21+$0xC270]  }
0x7b: {  	v7 =	vld [tilespmem:s23+$0xC200];
	[tilespmem:s21+$0xC210] =	vst v5;
	v2 =	vmul.f32 $1.131370830e+01, v2  }
0x7c: {  	v5 =	vld [tilespmem:s23+$0xC210];
	[tilespmem:s21+$0xC220] =	vst v4;
	v0 =	vmul.f32 $1.131370830e+01, v0  }
.Ltmp3:
0x7d: {  	v4 =	vld [tilespmem:s23+$0xC220];
	[tilespmem:s21+$0xC230] =	vst v2;
	v1 =	vmul.f32 $1.131370830e+01, v1;
	(pc) =	sbr.rel @p0 .LBB2_8-.Ltmp3, $4  }
0x7e: {  	v2 =	vld [tilespmem:s23+$0xC230];
	[tilespmem:s21+$0xC240] =	vst v0;
	v3 =	vmul.f32 $1.131370830e+01, v3  }
0x7f: {  	v0 =	vld [tilespmem:s23+$0xC240];
	[tilespmem:s21+$0xC250] =	vst v1;
	v8 =	vmul.f32 $1.131370830e+01, v6  }
0x80: {  	v6 =	vmul.f32 $1.131370830e+01, v7;
	v1 =	vld [tilespmem:s23+$0xC250];
	[tilespmem:s21+$0xC260] =	vst v3  }
0x81: {  	s22 =	sadd.s32 $0x200, s22;
	v5 =	vmul.f32 $1.131370830e+01, v5;
	v3 =	vld [tilespmem:s23+$0xC260];
	[tilespmem:s21+$0xC270] =	vst v8;
	s21 =	smov.u32 s23  }
0x82: {  	[tilespmem:s21+$0xC200] =	vst v6;
	v4 =	vmul.f32 $1.131370830e+01, v4;
	v61 =	vld [tilespmem:s21+$0xC270]  }
0x83: {  	[tilespmem:s21+$0xC210] =	vst v5;
	v2 =	vmul.f32 $1.131370830e+01, v2  }
0x84: {  	[tilespmem:s21+$0xC220] =	vst v4;
	v0 =	vmul.f32 $1.131370830e+01, v0  }
0x85: {  	[tilespmem:s21+$0xC230] =	vst v2;
	v1 =	vmul.f32 $1.131370830e+01, v1  }
0x86: {  	[tilespmem:s21+$0xC240] =	vst v0;
	v62 =	vmul.f32 $1.131370830e+01, v3  }
0x87: {  	[tilespmem:s21+$0xC250] =	vst v1;
	v63 =	vmul.f32 $1.131370830e+01, v61  }
0x88: {  	[tilespmem:s21+$0xC260] =	vst v62  }
0x89: {  	[tilespmem:s21+$0xC270] =	vst v63  }
0x8a: {  	[hbm4b:s9+s3] =	stream.linear.scatter [tilespmem:s18], [sflag:$0x2], $0x4000, $0x38;
	[tilespmem:$0x10200] =	vst v63  }
0x8b: {  	_ =	swait.ge [sflag:s19], $0x4000  }
0x8c: {  	[sflag:s19] =	ssyncset.done $0x0  }
0x8d: {  	[sflag:s19] =	ssyncadd.s32 $0xFFFFC000  }
0x8e: {  	_ =	swait.ge [sflag:s19], $0x4000  }
0x8f: {  	[sflag:s19] =	ssyncset.done $0x0  }
0x90: {  	s20 =	sadd.s32 $0x1, s20;
	[sflag:s19] =	ssyncadd.s32 $0xFFFFC000  }
0x91: {  	p0 =	sne.s32 s20, s10;
	_ =	swait.ge [sflag:s19], $0x4000  }
.Ltmp4:
0x92: {  	[sflag:s19] =	ssyncset.done $0x0;
	(pc) =	sbr.rel @p0 .LBB2_1-.Ltmp4, $4  }
0x93: {  	[sflag:s19] =	ssyncadd.s32 $0xFFFFC000  }
0x94: {  	_ =	swait.ge [sflag:s19], $0x4000  }
0x95: {  	[sflag:s19] =	ssyncset.done $0x0  }
0x96: {  	[sflag:s19] =	ssyncadd.s32 $0xFFFFC000  }
0x97: {  	_ =	sfence.sel $0x180000  }
0x98: {  	[bflag:$0x0] =	sbarrier.arrive $0xFFFF  }
0x99: {  	p0 =	sne.s32 s0, $0x0;
	_ =	strace $0x90000047  }
0x9a: {  	s0 =	sadd.s32 @!p0 $0x100000, s2;
	[bflag:$0x2] =	sbarrier.arrive $0xFFFF  }
0x9b: {  	[sflag:s0] =	ssyncadd.tile.s32 @!p0 $0x1;
	_ =	shalt  }
.Lfunc_end2:
_tile_overlayer_lowered:
.L_overlay_start_2:
0x9c: {  	(tag) =	ssettag $0x2  }
0x9d: {  	s0 =	rddreg [dreg:$0x0];
	s2 =	stileid.u32  }
0x9e: {  	s1 =	rddreg [dreg:$0x1];
	p0 =	sne.s32 s2, $0x0  }
0x9f: {  	s3 =	rddreg [dreg:$0x2];
	[bflag:$0x3] =	sbarrier.arrive $0xFFFF;
	s2 =	simm.s32 @!p0 $0x1C03  }
0xa0: {  	[timem:s3], [sflag:s2] =	dma.local @!p0 [hbm:s0], s1  }
0xa1: {  	s0 =	simm.s32 @!p0 $0x3  }
0xa2: {  	_ =	swait.ge @!p0 [sflag:s0], s1  }
0xa3: {  	s1 =	ssub.s32 @!p0 $0x0, s1;
	[sflag:s0] =	ssyncset.done @!p0 $0x0  }
0xa4: {  	[sflag:s0] =	ssyncadd.s32 @!p0 s1  }
0xa5: {  	[bflag:$0x3] =	sbarrier.arrive $0xFFFF  }
0xa6: {  	_ =	shalt  }

</sc_bundles>
